<compile_context>
chip_gen: v7x
topology: tpu7x:2x2x1
jax: 0.10.2.dev20260603
libtpu: 0.0.44.dev20260713+nightly
codegen_flags: <defaults>
</compile_context>

<pallas_src>
import functools

import jax
import jax.numpy as jnp
from jax import lax
from jax.experimental import pallas as pl
from jax.experimental.pallas import tpu as pltpu
from jax.experimental.pallas import tpu_sc as plsc


_LANES = 16
_SC = 10


def _make_kernel(B, S, D, V):
    info = plsc.get_sparse_core_info()
    NC, NS = info.num_cores, info.num_subcores
    NW = NC * NS
    BT = B // 128
    assert BT == NW and B % 128 == 0
    assert S % _SC == 0
    n_chunks = S // _SC
    HREG = D // _LANES
    assert HREG * _LANES == D

    mesh = plsc.VectorSubcoreMesh(core_axis_name="c", subcore_axis_name="s")

    @functools.partial(
        pl.kernel,
        mesh=mesh,
        compiler_params=pltpu.CompilerParams(
            use_tc_tiling_on_sc=False, needs_layout_passes=False
        ),
        out_type=jax.ShapeDtypeStruct((S, B, D), jnp.float32),
        scratch_types=[
            pltpu.VMEM((_SC, 128), jnp.int32),
            pltpu.VMEM((_SC, 128, D), jnp.float32),
            pltpu.VMEM((S, D), jnp.float32),
            pltpu.SemaphoreType.DMA,
        ],
    )
    def k(xt_hbm, item_hbm, pos_hbm, out_hbm, idx_v, rbuf, pos_v, sem):
        wid = lax.axis_index("s") * NC + lax.axis_index("c")
        b0 = wid * 128

        pltpu.sync_copy(pos_hbm, pos_v)

        def chunk_body(i, carry):
            s0 = i * _SC
            pltpu.sync_copy(
                xt_hbm.at[pl.ds(s0, _SC), pl.ds(b0, 128)], idx_v
            )

            copies = []
            for si in range(_SC):
                copies.append(
                    pltpu.async_copy(
                        item_hbm.at[idx_v.at[si]], rbuf.at[si], sem
                    )
                )
            for c in copies:
                c.wait()

            def pos_body(si, c1):
                pvs = [
                    pos_v[s0 + si, pl.ds(h * _LANES, _LANES)]
                    for h in range(HREG)
                ]

                def row_body(c, c2):
                    for h in range(HREG):
                        sl = pl.ds(h * _LANES, _LANES)
                        rbuf[si, c, sl] = rbuf[si, c, sl] + pvs[h]
                    return c2

                lax.fori_loop(0, 128, row_body, 0)
                return c1

            lax.fori_loop(0, _SC, pos_body, 0)

            pltpu.sync_copy(
                rbuf, out_hbm.at[pl.ds(s0, _SC), pl.ds(b0, 128)]
            )
            return carry

        lax.fori_loop(0, n_chunks, chunk_body, 0)

    return k


def kernel(x, item_emb, pos_emb):
    B, S = x.shape
    V, D = item_emb.shape
    xt = x.astype(jnp.int32).T
    out_sbd = _make_kernel(B, S, D, V)(xt, item_emb, pos_emb[:S])
    return jnp.transpose(out_sbd, (1, 0, 2))

# --- scband reference (transcript-rebuilt; emitter-appended) ---
"""Pipeline reference for scband-embedding-layer-36129264894581 (READ-ONLY COPY).

The authoritative reference and input builder live on the scoring server;
editing this copy changes nothing except your own understanding.
"""

import jax, jax.numpy as jnp
import numpy as np
import math

N = 200
NUM_ITEMS = 1000000
EMB_DIM = 32

def setup_inputs(seed: int = 0) -> dict:
    key = jax.random.key(seed)
    k1, k2, k3 = jax.random.split(key, 3)
    x = jax.random.randint(k1, (4096, 200), 0, NUM_ITEMS, dtype=jnp.int64 if jax.config.jax_enable_x64 else jnp.int32)
    item_limit = math.sqrt(1.0 / (NUM_ITEMS + 1))
    pos_limit = math.sqrt(1.0 / N)
    item_emb = jax.random.uniform(k2, (NUM_ITEMS + 1, EMB_DIM), minval=-item_limit, maxval=item_limit, dtype=jnp.float32)
    pos_emb = jax.random.uniform(k3, (N, EMB_DIM), minval=-pos_limit, maxval=pos_limit, dtype=jnp.float32)
    return {"x": x, "item_emb": item_emb, "pos_emb": pos_emb}

def reference(x, item_emb, pos_emb):
    batch_size, seq_len = x.shape
    item_embs = jnp.take(item_emb, x, axis=0)  # [B, S, D]
    pos_embs = pos_emb[:seq_len, :]            # [S, D] (seq_len <= N slice)
    pos_embs = jnp.broadcast_to(pos_embs[None, :, :], (batch_size, seq_len, pos_embs.shape[-1]))
    return item_embs + pos_embs

if __name__ == "__main__":
    import jax
    _d = setup_inputs()
    print(jax.jit(kernel)(*tuple(_d.values())))

</pallas_src>

<mosaic_0001>
#map = affine_map<(d0, d1) -> (0, 0)>
#map1 = affine_map<(d0, d1) -> (0, 0, 0)>
module attributes {stable_mosaic.version = 14 : i64} {
  func.func @k(%arg0: i32, %arg1: i32, %arg2: memref<200x4096xi32, #tpu.memory_space<hbm>>, %arg3: memref<1000001x32xf32, #tpu.memory_space<hbm>>, %arg4: memref<200x32xf32, #tpu.memory_space<hbm>>, %arg5: memref<200x4096x32xf32, #tpu.memory_space<hbm>>, %arg6: memref<10x128xi32, #tpu.memory_space<vmem>>, %arg7: memref<10x128x32xf32, #tpu.memory_space<vmem>>, %arg8: memref<200x32xf32, #tpu.memory_space<vmem>>, %arg9: memref<!tpu.dma_semaphore, #tpu.memory_space<semaphore_mem>>) attributes {dimension_semantics = [#tpu.dimension_semantics<core_parallel>, #tpu.dimension_semantics<subcore_parallel>], iteration_bounds = array<i64: 2, 16>, scalar_prefetch = 0 : i64, scratch_operands = 4 : i64, tpu.core_type = #tpu.core_type<sc_vector_subcore>, window_params = [{transform_indices = #map}, {transform_indices = #map}, {transform_indices = #map}, {transform_indices = #map1}]} {
    %mul3A = arith.constant 2 : i32
    %mul3A_0 = arith.muli %arg1, %mul3A : i32
    %add3A = arith.addi %mul3A_0, %arg0 : i32
    %mul3A_1 = arith.constant 128 : i32
    %mul3A_2 = arith.muli %add3A, %mul3A_1 : i32
    "tpu.region"() ({
      %run_scoped3A = tpu.sem_alloc : memref<!tpu.dma_semaphore, #tpu.memory_space<semaphore_mem>>
      tpu.enqueue_dma source(%arg4 : memref<200x32xf32, #tpu.memory_space<hbm>>) target(%arg8 : memref<200x32xf32, #tpu.memory_space<vmem>>) target_semaphore(%run_scoped3A : memref<!tpu.dma_semaphore, #tpu.memory_space<semaphore_mem>>)
      tpu.wait_dma2 semaphore(%run_scoped3A : memref<!tpu.dma_semaphore, #tpu.memory_space<semaphore_mem>>) src(%arg4 : memref<200x32xf32, #tpu.memory_space<hbm>>) dst(%arg8 : memref<200x32xf32, #tpu.memory_space<vmem>>)
      tpu.yield
    }) : () -> ()
    %scan3A = arith.constant 0 : i32
    %scan3A_3 = arith.constant 0 : i32
    %scan3A_4 = arith.constant 20 : i32
    %scan3A_5 = arith.addi %scan3A_3, %scan3A_4 : i32
    %scan3A_6 = arith.constant 1 : i32
    scf.for %scan3A_8 = %scan3A_3 to %scan3A_5 step %scan3A_6  : i32 {
      %mul3A_9 = arith.constant 10 : i32
      %mul3A_10 = arith.muli %scan3A_8, %mul3A_9 : i32
      "tpu.region"() ({
        %run_scoped3A = tpu.sem_alloc : memref<!tpu.dma_semaphore, #tpu.memory_space<semaphore_mem>>
        %dma_start3A_255 = tpu.memref_slice %arg2[%mul3A_10, %mul3A_2] : memref<200x4096xi32, #tpu.memory_space<hbm>> -> memref<10x128xi32, #tpu.memory_space<hbm>>
        %dma_start3A_256 = tpu.memref_slice %arg2[%mul3A_10, %mul3A_2] : memref<200x4096xi32, #tpu.memory_space<hbm>> -> memref<10x128xi32, #tpu.memory_space<hbm>>
        tpu.enqueue_dma source(%dma_start3A_256 : memref<10x128xi32, #tpu.memory_space<hbm>>) target(%arg6 : memref<10x128xi32, #tpu.memory_space<vmem>>) target_semaphore(%run_scoped3A : memref<!tpu.dma_semaphore, #tpu.memory_space<semaphore_mem>>)
        %dma_wait3A_257 = tpu.memref_slice %arg2[%mul3A_10, %mul3A_2] : memref<200x4096xi32, #tpu.memory_space<hbm>> -> memref<10x128xi32, #tpu.memory_space<hbm>>
        %dma_wait3A_258 = tpu.memref_slice %arg2[%mul3A_10, %mul3A_2] : memref<200x4096xi32, #tpu.memory_space<hbm>> -> memref<10x128xi32, #tpu.memory_space<hbm>>
        tpu.wait_dma2 semaphore(%run_scoped3A : memref<!tpu.dma_semaphore, #tpu.memory_space<semaphore_mem>>) src(%dma_wait3A_258 : memref<10x128xi32, #tpu.memory_space<hbm>>) dst(%arg6 : memref<10x128xi32, #tpu.memory_space<vmem>>)
        tpu.yield
      }) : () -> ()
      %dma_start3A = arith.constant 0 : i32
      %dma_start3A_11 = arith.constant 0 : i32
      %dma_start3A_12 = arith.constant 0 : i32
      %dma_start3A_13 = arith.constant 0 : i32
      %dma_start3A_14 = tpu.memref_slice %arg7[%dma_start3A_11, %dma_start3A_12, %dma_start3A_13] : memref<10x128x32xf32, #tpu.memory_space<vmem>> -> memref<1x128x32xf32, #tpu.memory_space<vmem>>
      %dma_start3A_15 = tpu.memref_squeeze %dma_start3A_14 : memref<1x128x32xf32, #tpu.memory_space<vmem>> -> memref<128x32xf32, #tpu.memory_space<vmem>>
      %dma_start3A_16 = arith.constant 0 : i32
      %dma_start3A_17 = tpu.memref_slice %arg6[%dma_start3A, %dma_start3A_16] : memref<10x128xi32, #tpu.memory_space<vmem>> -> memref<1x128xi32, #tpu.memory_space<vmem>>
      %dma_start3A_18 = tpu.memref_squeeze %dma_start3A_17 : memref<1x128xi32, #tpu.memory_space<vmem>> -> memref<128xi32, #tpu.memory_space<vmem>>
      %dma_start3A_19 = arith.constant 0 : i32
      %dma_start3A_20 = arith.constant 0 : i32
      %dma_start3A_21 = tpu.memref_slice %arg3[%dma_start3A_19, %dma_start3A_20] : memref<1000001x32xf32, #tpu.memory_space<hbm>> -> memref<1000001x32xf32, #tpu.memory_space<hbm>>
      tpu.enqueue_indirect_dma source(%dma_start3A_21 : memref<1000001x32xf32, #tpu.memory_space<hbm>>) target(%dma_start3A_15 : memref<128x32xf32, #tpu.memory_space<vmem>>) offsets(%dma_start3A_18 : memref<128xi32, #tpu.memory_space<vmem>>) semaphore(%arg9 : memref<!tpu.dma_semaphore, #tpu.memory_space<semaphore_mem>>)
      %dma_start3A_22 = arith.constant 1 : i32
      %dma_start3A_23 = arith.constant 1 : i32
      %dma_start3A_24 = arith.constant 0 : i32
      %dma_start3A_25 = arith.constant 0 : i32
      %dma_start3A_26 = tpu.memref_slice %arg7[%dma_start3A_23, %dma_start3A_24, %dma_start3A_25] : memref<10x128x32xf32, #tpu.memory_space<vmem>> -> memref<1x128x32xf32, #tpu.memory_space<vmem>>
      %dma_start3A_27 = tpu.memref_squeeze %dma_start3A_26 : memref<1x128x32xf32, #tpu.memory_space<vmem>> -> memref<128x32xf32, #tpu.memory_space<vmem>>
      %dma_start3A_28 = arith.constant 0 : i32
      %dma_start3A_29 = tpu.memref_slice %arg6[%dma_start3A_22, %dma_start3A_28] : memref<10x128xi32, #tpu.memory_space<vmem>> -> memref<1x128xi32, #tpu.memory_space<vmem>>
      %dma_start3A_30 = tpu.memref_squeeze %dma_start3A_29 : memref<1x128xi32, #tpu.memory_space<vmem>> -> memref<128xi32, #tpu.memory_space<vmem>>
      %dma_start3A_31 = arith.constant 0 : i32
      %dma_start3A_32 = arith.constant 0 : i32
      %dma_start3A_33 = tpu.memref_slice %arg3[%dma_start3A_31, %dma_start3A_32] : memref<1000001x32xf32, #tpu.memory_space<hbm>> -> memref<1000001x32xf32, #tpu.memory_space<hbm>>
      tpu.enqueue_indirect_dma source(%dma_start3A_33 : memref<1000001x32xf32, #tpu.memory_space<hbm>>) target(%dma_start3A_27 : memref<128x32xf32, #tpu.memory_space<vmem>>) offsets(%dma_start3A_30 : memref<128xi32, #tpu.memory_space<vmem>>) semaphore(%arg9 : memref<!tpu.dma_semaphore, #tpu.memory_space<semaphore_mem>>)
      %dma_start3A_34 = arith.constant 2 : i32
      %dma_start3A_35 = arith.constant 2 : i32
      %dma_start3A_36 = arith.constant 0 : i32
      %dma_start3A_37 = arith.constant 0 : i32
      %dma_start3A_38 = tpu.memref_slice %arg7[%dma_start3A_35, %dma_start3A_36, %dma_start3A_37] : memref<10x128x32xf32, #tpu.memory_space<vmem>> -> memref<1x128x32xf32, #tpu.memory_space<vmem>>
      %dma_start3A_39 = tpu.memref_squeeze %dma_start3A_38 : memref<1x128x32xf32, #tpu.memory_space<vmem>> -> memref<128x32xf32, #tpu.memory_space<vmem>>
      %dma_start3A_40 = arith.constant 0 : i32
      %dma_start3A_41 = tpu.memref_slice %arg6[%dma_start3A_34, %dma_start3A_40] : memref<10x128xi32, #tpu.memory_space<vmem>> -> memref<1x128xi32, #tpu.memory_space<vmem>>
      %dma_start3A_42 = tpu.memref_squeeze %dma_start3A_41 : memref<1x128xi32, #tpu.memory_space<vmem>> -> memref<128xi32, #tpu.memory_space<vmem>>
      %dma_start3A_43 = arith.constant 0 : i32
      %dma_start3A_44 = arith.constant 0 : i32
      %dma_start3A_45 = tpu.memref_slice %arg3[%dma_start3A_43, %dma_start3A_44] : memref<1000001x32xf32, #tpu.memory_space<hbm>> -> memref<1000001x32xf32, #tpu.memory_space<hbm>>
      tpu.enqueue_indirect_dma source(%dma_start3A_45 : memref<1000001x32xf32, #tpu.memory_space<hbm>>) target(%dma_start3A_39 : memref<128x32xf32, #tpu.memory_space<vmem>>) offsets(%dma_start3A_42 : memref<128xi32, #tpu.memory_space<vmem>>) semaphore(%arg9 : memref<!tpu.dma_semaphore, #tpu.memory_space<semaphore_mem>>)
      %dma_start3A_46 = arith.constant 3 : i32
      %dma_start3A_47 = arith.constant 3 : i32
      %dma_start3A_48 = arith.constant 0 : i32
      %dma_start3A_49 = arith.constant 0 : i32
      %dma_start3A_50 = tpu.memref_slice %arg7[%dma_start3A_47, %dma_start3A_48, %dma_start3A_49] : memref<10x128x32xf32, #tpu.memory_space<vmem>> -> memref<1x128x32xf32, #tpu.memory_space<vmem>>
      %dma_start3A_51 = tpu.memref_squeeze %dma_start3A_50 : memref<1x128x32xf32, #tpu.memory_space<vmem>> -> memref<128x32xf32, #tpu.memory_space<vmem>>
      %dma_start3A_52 = arith.constant 0 : i32
      %dma_start3A_53 = tpu.memref_slice %arg6[%dma_start3A_46, %dma_start3A_52] : memref<10x128xi32, #tpu.memory_space<vmem>> -> memref<1x128xi32, #tpu.memory_space<vmem>>
      %dma_start3A_54 = tpu.memref_squeeze %dma_start3A_53 : memref<1x128xi32, #tpu.memory_space<vmem>> -> memref<128xi32, #tpu.memory_space<vmem>>
      %dma_start3A_55 = arith.constant 0 : i32
      %dma_start3A_56 = arith.constant 0 : i32
      %dma_start3A_57 = tpu.memref_slice %arg3[%dma_start3A_55, %dma_start3A_56] : memref<1000001x32xf32, #tpu.memory_space<hbm>> -> memref<1000001x32xf32, #tpu.memory_space<hbm>>
      tpu.enqueue_indirect_dma source(%dma_start3A_57 : memref<1000001x32xf32, #tpu.memory_space<hbm>>) target(%dma_start3A_51 : memref<128x32xf32, #tpu.memory_space<vmem>>) offsets(%dma_start3A_54 : memref<128xi32, #tpu.memory_space<vmem>>) semaphore(%arg9 : memref<!tpu.dma_semaphore, #tpu.memory_space<semaphore_mem>>)
      %dma_start3A_58 = arith.constant 4 : i32
      %dma_start3A_59 = arith.constant 4 : i32
      %dma_start3A_60 = arith.constant 0 : i32
      %dma_start3A_61 = arith.constant 0 : i32
      %dma_start3A_62 = tpu.memref_slice %arg7[%dma_start3A_59, %dma_start3A_60, %dma_start3A_61] : memref<10x128x32xf32, #tpu.memory_space<vmem>> -> memref<1x128x32xf32, #tpu.memory_space<vmem>>
      %dma_start3A_63 = tpu.memref_squeeze %dma_start3A_62 : memref<1x128x32xf32, #tpu.memory_space<vmem>> -> memref<128x32xf32, #tpu.memory_space<vmem>>
      %dma_start3A_64 = arith.constant 0 : i32
      %dma_start3A_65 = tpu.memref_slice %arg6[%dma_start3A_58, %dma_start3A_64] : memref<10x128xi32, #tpu.memory_space<vmem>> -> memref<1x128xi32, #tpu.memory_space<vmem>>
      %dma_start3A_66 = tpu.memref_squeeze %dma_start3A_65 : memref<1x128xi32, #tpu.memory_space<vmem>> -> memref<128xi32, #tpu.memory_space<vmem>>
      %dma_start3A_67 = arith.constant 0 : i32
      %dma_start3A_68 = arith.constant 0 : i32
      %dma_start3A_69 = tpu.memref_slice %arg3[%dma_start3A_67, %dma_start3A_68] : memref<1000001x32xf32, #tpu.memory_space<hbm>> -> memref<1000001x32xf32, #tpu.memory_space<hbm>>
      tpu.enqueue_indirect_dma source(%dma_start3A_69 : memref<1000001x32xf32, #tpu.memory_space<hbm>>) target(%dma_start3A_63 : memref<128x32xf32, #tpu.memory_space<vmem>>) offsets(%dma_start3A_66 : memref<128xi32, #tpu.memory_space<vmem>>) semaphore(%arg9 : memref<!tpu.dma_semaphore, #tpu.memory_space<semaphore_mem>>)
      %dma_start3A_70 = arith.constant 5 : i32
      %dma_start3A_71 = arith.constant 5 : i32
      %dma_start3A_72 = arith.constant 0 : i32
      %dma_start3A_73 = arith.constant 0 : i32
      %dma_start3A_74 = tpu.memref_slice %arg7[%dma_start3A_71, %dma_start3A_72, %dma_start3A_73] : memref<10x128x32xf32, #tpu.memory_space<vmem>> -> memref<1x128x32xf32, #tpu.memory_space<vmem>>
      %dma_start3A_75 = tpu.memref_squeeze %dma_start3A_74 : memref<1x128x32xf32, #tpu.memory_space<vmem>> -> memref<128x32xf32, #tpu.memory_space<vmem>>
      %dma_start3A_76 = arith.constant 0 : i32
      %dma_start3A_77 = tpu.memref_slice %arg6[%dma_start3A_70, %dma_start3A_76] : memref<10x128xi32, #tpu.memory_space<vmem>> -> memref<1x128xi32, #tpu.memory_space<vmem>>
      %dma_start3A_78 = tpu.memref_squeeze %dma_start3A_77 : memref<1x128xi32, #tpu.memory_space<vmem>> -> memref<128xi32, #tpu.memory_space<vmem>>
      %dma_start3A_79 = arith.constant 0 : i32
      %dma_start3A_80 = arith.constant 0 : i32
      %dma_start3A_81 = tpu.memref_slice %arg3[%dma_start3A_79, %dma_start3A_80] : memref<1000001x32xf32, #tpu.memory_space<hbm>> -> memref<1000001x32xf32, #tpu.memory_space<hbm>>
      tpu.enqueue_indirect_dma source(%dma_start3A_81 : memref<1000001x32xf32, #tpu.memory_space<hbm>>) target(%dma_start3A_75 : memref<128x32xf32, #tpu.memory_space<vmem>>) offsets(%dma_start3A_78 : memref<128xi32, #tpu.memory_space<vmem>>) semaphore(%arg9 : memref<!tpu.dma_semaphore, #tpu.memory_space<semaphore_mem>>)
      %dma_start3A_82 = arith.constant 6 : i32
      %dma_start3A_83 = arith.constant 6 : i32
      %dma_start3A_84 = arith.constant 0 : i32
      %dma_start3A_85 = arith.constant 0 : i32
      %dma_start3A_86 = tpu.memref_slice %arg7[%dma_start3A_83, %dma_start3A_84, %dma_start3A_85] : memref<10x128x32xf32, #tpu.memory_space<vmem>> -> memref<1x128x32xf32, #tpu.memory_space<vmem>>
      %dma_start3A_87 = tpu.memref_squeeze %dma_start3A_86 : memref<1x128x32xf32, #tpu.memory_space<vmem>> -> memref<128x32xf32, #tpu.memory_space<vmem>>
      %dma_start3A_88 = arith.constant 0 : i32
      %dma_start3A_89 = tpu.memref_slice %arg6[%dma_start3A_82, %dma_start3A_88] : memref<10x128xi32, #tpu.memory_space<vmem>> -> memref<1x128xi32, #tpu.memory_space<vmem>>
      %dma_start3A_90 = tpu.memref_squeeze %dma_start3A_89 : memref<1x128xi32, #tpu.memory_space<vmem>> -> memref<128xi32, #tpu.memory_space<vmem>>
      %dma_start3A_91 = arith.constant 0 : i32
      %dma_start3A_92 = arith.constant 0 : i32
      %dma_start3A_93 = tpu.memref_slice %arg3[%dma_start3A_91, %dma_start3A_92] : memref<1000001x32xf32, #tpu.memory_space<hbm>> -> memref<1000001x32xf32, #tpu.memory_space<hbm>>
      tpu.enqueue_indirect_dma source(%dma_start3A_93 : memref<1000001x32xf32, #tpu.memory_space<hbm>>) target(%dma_start3A_87 : memref<128x32xf32, #tpu.memory_space<vmem>>) offsets(%dma_start3A_90 : memref<128xi32, #tpu.memory_space<vmem>>) semaphore(%arg9 : memref<!tpu.dma_semaphore, #tpu.memory_space<semaphore_mem>>)
      %dma_start3A_94 = arith.constant 7 : i32
      %dma_start3A_95 = arith.constant 7 : i32
      %dma_start3A_96 = arith.constant 0 : i32
      %dma_start3A_97 = arith.constant 0 : i32
      %dma_start3A_98 = tpu.memref_slice %arg7[%dma_start3A_95, %dma_start3A_96, %dma_start3A_97] : memref<10x128x32xf32, #tpu.memory_space<vmem>> -> memref<1x128x32xf32, #tpu.memory_space<vmem>>
      %dma_start3A_99 = tpu.memref_squeeze %dma_start3A_98 : memref<1x128x32xf32, #tpu.memory_space<vmem>> -> memref<128x32xf32, #tpu.memory_space<vmem>>
      %dma_start3A_100 = arith.constant 0 : i32
      %dma_start3A_101 = tpu.memref_slice %arg6[%dma_start3A_94, %dma_start3A_100] : memref<10x128xi32, #tpu.memory_space<vmem>> -> memref<1x128xi32, #tpu.memory_space<vmem>>
      %dma_start3A_102 = tpu.memref_squeeze %dma_start3A_101 : memref<1x128xi32, #tpu.memory_space<vmem>> -> memref<128xi32, #tpu.memory_space<vmem>>
      %dma_start3A_103 = arith.constant 0 : i32
      %dma_start3A_104 = arith.constant 0 : i32
      %dma_start3A_105 = tpu.memref_slice %arg3[%dma_start3A_103, %dma_start3A_104] : memref<1000001x32xf32, #tpu.memory_space<hbm>> -> memref<1000001x32xf32, #tpu.memory_space<hbm>>
      tpu.enqueue_indirect_dma source(%dma_start3A_105 : memref<1000001x32xf32, #tpu.memory_space<hbm>>) target(%dma_start3A_99 : memref<128x32xf32, #tpu.memory_space<vmem>>) offsets(%dma_start3A_102 : memref<128xi32, #tpu.memory_space<vmem>>) semaphore(%arg9 : memref<!tpu.dma_semaphore, #tpu.memory_space<semaphore_mem>>)
      %dma_start3A_106 = arith.constant 8 : i32
      %dma_start3A_107 = arith.constant 8 : i32
      %dma_start3A_108 = arith.constant 0 : i32
      %dma_start3A_109 = arith.constant 0 : i32
      %dma_start3A_110 = tpu.memref_slice %arg7[%dma_start3A_107, %dma_start3A_108, %dma_start3A_109] : memref<10x128x32xf32, #tpu.memory_space<vmem>> -> memref<1x128x32xf32, #tpu.memory_space<vmem>>
      %dma_start3A_111 = tpu.memref_squeeze %dma_start3A_110 : memref<1x128x32xf32, #tpu.memory_space<vmem>> -> memref<128x32xf32, #tpu.memory_space<vmem>>
      %dma_start3A_112 = arith.constant 0 : i32
      %dma_start3A_113 = tpu.memref_slice %arg6[%dma_start3A_106, %dma_start3A_112] : memref<10x128xi32, #tpu.memory_space<vmem>> -> memref<1x128xi32, #tpu.memory_space<vmem>>
      %dma_start3A_114 = tpu.memref_squeeze %dma_start3A_113 : memref<1x128xi32, #tpu.memory_space<vmem>> -> memref<128xi32, #tpu.memory_space<vmem>>
      %dma_start3A_115 = arith.constant 0 : i32
      %dma_start3A_116 = arith.constant 0 : i32
      %dma_start3A_117 = tpu.memref_slice %arg3[%dma_start3A_115, %dma_start3A_116] : memref<1000001x32xf32, #tpu.memory_space<hbm>> -> memref<1000001x32xf32, #tpu.memory_space<hbm>>
      tpu.enqueue_indirect_dma source(%dma_start3A_117 : memref<1000001x32xf32, #tpu.memory_space<hbm>>) target(%dma_start3A_111 : memref<128x32xf32, #tpu.memory_space<vmem>>) offsets(%dma_start3A_114 : memref<128xi32, #tpu.memory_space<vmem>>) semaphore(%arg9 : memref<!tpu.dma_semaphore, #tpu.memory_space<semaphore_mem>>)
      %dma_start3A_118 = arith.constant 9 : i32
      %dma_start3A_119 = arith.constant 9 : i32
      %dma_start3A_120 = arith.constant 0 : i32
      %dma_start3A_121 = arith.constant 0 : i32
      %dma_start3A_122 = tpu.memref_slice %arg7[%dma_start3A_119, %dma_start3A_120, %dma_start3A_121] : memref<10x128x32xf32, #tpu.memory_space<vmem>> -> memref<1x128x32xf32, #tpu.memory_space<vmem>>
      %dma_start3A_123 = tpu.memref_squeeze %dma_start3A_122 : memref<1x128x32xf32, #tpu.memory_space<vmem>> -> memref<128x32xf32, #tpu.memory_space<vmem>>
      %dma_start3A_124 = arith.constant 0 : i32
      %dma_start3A_125 = tpu.memref_slice %arg6[%dma_start3A_118, %dma_start3A_124] : memref<10x128xi32, #tpu.memory_space<vmem>> -> memref<1x128xi32, #tpu.memory_space<vmem>>
      %dma_start3A_126 = tpu.memref_squeeze %dma_start3A_125 : memref<1x128xi32, #tpu.memory_space<vmem>> -> memref<128xi32, #tpu.memory_space<vmem>>
      %dma_start3A_127 = arith.constant 0 : i32
      %dma_start3A_128 = arith.constant 0 : i32
      %dma_start3A_129 = tpu.memref_slice %arg3[%dma_start3A_127, %dma_start3A_128] : memref<1000001x32xf32, #tpu.memory_space<hbm>> -> memref<1000001x32xf32, #tpu.memory_space<hbm>>
      tpu.enqueue_indirect_dma source(%dma_start3A_129 : memref<1000001x32xf32, #tpu.memory_space<hbm>>) target(%dma_start3A_123 : memref<128x32xf32, #tpu.memory_space<vmem>>) offsets(%dma_start3A_126 : memref<128xi32, #tpu.memory_space<vmem>>) semaphore(%arg9 : memref<!tpu.dma_semaphore, #tpu.memory_space<semaphore_mem>>)
      %dma_wait3A = arith.constant 0 : i32
      %dma_wait3A_130 = arith.constant 0 : i32
      %dma_wait3A_131 = arith.constant 0 : i32
      %dma_wait3A_132 = arith.constant 0 : i32
      %dma_wait3A_133 = tpu.memref_slice %arg7[%dma_wait3A_130, %dma_wait3A_131, %dma_wait3A_132] : memref<10x128x32xf32, #tpu.memory_space<vmem>> -> memref<1x128x32xf32, #tpu.memory_space<vmem>>
      %dma_wait3A_134 = tpu.memref_squeeze %dma_wait3A_133 : memref<1x128x32xf32, #tpu.memory_space<vmem>> -> memref<128x32xf32, #tpu.memory_space<vmem>>
      %dma_wait3A_135 = arith.constant 0 : i32
      %dma_wait3A_136 = tpu.memref_slice %arg6[%dma_wait3A, %dma_wait3A_135] : memref<10x128xi32, #tpu.memory_space<vmem>> -> memref<1x128xi32, #tpu.memory_space<vmem>>
      %dma_wait3A_137 = tpu.memref_squeeze %dma_wait3A_136 : memref<1x128xi32, #tpu.memory_space<vmem>> -> memref<128xi32, #tpu.memory_space<vmem>>
      %dma_wait3A_138 = arith.constant 0 : i32
      %dma_wait3A_139 = arith.constant 0 : i32
      %dma_wait3A_140 = tpu.memref_slice %arg3[%dma_wait3A_138, %dma_wait3A_139] : memref<1000001x32xf32, #tpu.memory_space<hbm>> -> memref<1000001x32xf32, #tpu.memory_space<hbm>>
      tpu.wait_indirect_dma semaphore(%arg9 : memref<!tpu.dma_semaphore, #tpu.memory_space<semaphore_mem>>) src(%dma_wait3A_140 : memref<1000001x32xf32, #tpu.memory_space<hbm>>) dst(%dma_wait3A_134 : memref<128x32xf32, #tpu.memory_space<vmem>>)
      %dma_wait3A_141 = arith.constant 1 : i32
      %dma_wait3A_142 = arith.constant 1 : i32
      %dma_wait3A_143 = arith.constant 0 : i32
      %dma_wait3A_144 = arith.constant 0 : i32
      %dma_wait3A_145 = tpu.memref_slice %arg7[%dma_wait3A_142, %dma_wait3A_143, %dma_wait3A_144] : memref<10x128x32xf32, #tpu.memory_space<vmem>> -> memref<1x128x32xf32, #tpu.memory_space<vmem>>
      %dma_wait3A_146 = tpu.memref_squeeze %dma_wait3A_145 : memref<1x128x32xf32, #tpu.memory_space<vmem>> -> memref<128x32xf32, #tpu.memory_space<vmem>>
      %dma_wait3A_147 = arith.constant 0 : i32
      %dma_wait3A_148 = tpu.memref_slice %arg6[%dma_wait3A_141, %dma_wait3A_147] : memref<10x128xi32, #tpu.memory_space<vmem>> -> memref<1x128xi32, #tpu.memory_space<vmem>>
      %dma_wait3A_149 = tpu.memref_squeeze %dma_wait3A_148 : memref<1x128xi32, #tpu.memory_space<vmem>> -> memref<128xi32, #tpu.memory_space<vmem>>
      %dma_wait3A_150 = arith.constant 0 : i32
      %dma_wait3A_151 = arith.constant 0 : i32
      %dma_wait3A_152 = tpu.memref_slice %arg3[%dma_wait3A_150, %dma_wait3A_151] : memref<1000001x32xf32, #tpu.memory_space<hbm>> -> memref<1000001x32xf32, #tpu.memory_space<hbm>>
      tpu.wait_indirect_dma semaphore(%arg9 : memref<!tpu.dma_semaphore, #tpu.memory_space<semaphore_mem>>) src(%dma_wait3A_152 : memref<1000001x32xf32, #tpu.memory_space<hbm>>) dst(%dma_wait3A_146 : memref<128x32xf32, #tpu.memory_space<vmem>>)
      %dma_wait3A_153 = arith.constant 2 : i32
      %dma_wait3A_154 = arith.constant 2 : i32
      %dma_wait3A_155 = arith.constant 0 : i32
      %dma_wait3A_156 = arith.constant 0 : i32
      %dma_wait3A_157 = tpu.memref_slice %arg7[%dma_wait3A_154, %dma_wait3A_155, %dma_wait3A_156] : memref<10x128x32xf32, #tpu.memory_space<vmem>> -> memref<1x128x32xf32, #tpu.memory_space<vmem>>
      %dma_wait3A_158 = tpu.memref_squeeze %dma_wait3A_157 : memref<1x128x32xf32, #tpu.memory_space<vmem>> -> memref<128x32xf32, #tpu.memory_space<vmem>>
      %dma_wait3A_159 = arith.constant 0 : i32
      %dma_wait3A_160 = tpu.memref_slice %arg6[%dma_wait3A_153, %dma_wait3A_159] : memref<10x128xi32, #tpu.memory_space<vmem>> -> memref<1x128xi32, #tpu.memory_space<vmem>>
      %dma_wait3A_161 = tpu.memref_squeeze %dma_wait3A_160 : memref<1x128xi32, #tpu.memory_space<vmem>> -> memref<128xi32, #tpu.memory_space<vmem>>
      %dma_wait3A_162 = arith.constant 0 : i32
      %dma_wait3A_163 = arith.constant 0 : i32
      %dma_wait3A_164 = tpu.memref_slice %arg3[%dma_wait3A_162, %dma_wait3A_163] : memref<1000001x32xf32, #tpu.memory_space<hbm>> -> memref<1000001x32xf32, #tpu.memory_space<hbm>>
      tpu.wait_indirect_dma semaphore(%arg9 : memref<!tpu.dma_semaphore, #tpu.memory_space<semaphore_mem>>) src(%dma_wait3A_164 : memref<1000001x32xf32, #tpu.memory_space<hbm>>) dst(%dma_wait3A_158 : memref<128x32xf32, #tpu.memory_space<vmem>>)
      %dma_wait3A_165 = arith.constant 3 : i32
      %dma_wait3A_166 = arith.constant 3 : i32
      %dma_wait3A_167 = arith.constant 0 : i32
      %dma_wait3A_168 = arith.constant 0 : i32
      %dma_wait3A_169 = tpu.memref_slice %arg7[%dma_wait3A_166, %dma_wait3A_167, %dma_wait3A_168] : memref<10x128x32xf32, #tpu.memory_space<vmem>> -> memref<1x128x32xf32, #tpu.memory_space<vmem>>
      %dma_wait3A_170 = tpu.memref_squeeze %dma_wait3A_169 : memref<1x128x32xf32, #tpu.memory_space<vmem>> -> memref<128x32xf32, #tpu.memory_space<vmem>>
      %dma_wait3A_171 = arith.constant 0 : i32
      %dma_wait3A_172 = tpu.memref_slice %arg6[%dma_wait3A_165, %dma_wait3A_171] : memref<10x128xi32, #tpu.memory_space<vmem>> -> memref<1x128xi32, #tpu.memory_space<vmem>>
      %dma_wait3A_173 = tpu.memref_squeeze %dma_wait3A_172 : memref<1x128xi32, #tpu.memory_space<vmem>> -> memref<128xi32, #tpu.memory_space<vmem>>
      %dma_wait3A_174 = arith.constant 0 : i32
      %dma_wait3A_175 = arith.constant 0 : i32
      %dma_wait3A_176 = tpu.memref_slice %arg3[%dma_wait3A_174, %dma_wait3A_175] : memref<1000001x32xf32, #tpu.memory_space<hbm>> -> memref<1000001x32xf32, #tpu.memory_space<hbm>>
      tpu.wait_indirect_dma semaphore(%arg9 : memref<!tpu.dma_semaphore, #tpu.memory_space<semaphore_mem>>) src(%dma_wait3A_176 : memref<1000001x32xf32, #tpu.memory_space<hbm>>) dst(%dma_wait3A_170 : memref<128x32xf32, #tpu.memory_space<vmem>>)
      %dma_wait3A_177 = arith.constant 4 : i32
      %dma_wait3A_178 = arith.constant 4 : i32
      %dma_wait3A_179 = arith.constant 0 : i32
      %dma_wait3A_180 = arith.constant 0 : i32
      %dma_wait3A_181 = tpu.memref_slice %arg7[%dma_wait3A_178, %dma_wait3A_179, %dma_wait3A_180] : memref<10x128x32xf32, #tpu.memory_space<vmem>> -> memref<1x128x32xf32, #tpu.memory_space<vmem>>
      %dma_wait3A_182 = tpu.memref_squeeze %dma_wait3A_181 : memref<1x128x32xf32, #tpu.memory_space<vmem>> -> memref<128x32xf32, #tpu.memory_space<vmem>>
      %dma_wait3A_183 = arith.constant 0 : i32
      %dma_wait3A_184 = tpu.memref_slice %arg6[%dma_wait3A_177, %dma_wait3A_183] : memref<10x128xi32, #tpu.memory_space<vmem>> -> memref<1x128xi32, #tpu.memory_space<vmem>>
      %dma_wait3A_185 = tpu.memref_squeeze %dma_wait3A_184 : memref<1x128xi32, #tpu.memory_space<vmem>> -> memref<128xi32, #tpu.memory_space<vmem>>
      %dma_wait3A_186 = arith.constant 0 : i32
      %dma_wait3A_187 = arith.constant 0 : i32
      %dma_wait3A_188 = tpu.memref_slice %arg3[%dma_wait3A_186, %dma_wait3A_187] : memref<1000001x32xf32, #tpu.memory_space<hbm>> -> memref<1000001x32xf32, #tpu.memory_space<hbm>>
      tpu.wait_indirect_dma semaphore(%arg9 : memref<!tpu.dma_semaphore, #tpu.memory_space<semaphore_mem>>) src(%dma_wait3A_188 : memref<1000001x32xf32, #tpu.memory_space<hbm>>) dst(%dma_wait3A_182 : memref<128x32xf32, #tpu.memory_space<vmem>>)
      %dma_wait3A_189 = arith.constant 5 : i32
      %dma_wait3A_190 = arith.constant 5 : i32
      %dma_wait3A_191 = arith.constant 0 : i32
      %dma_wait3A_192 = arith.constant 0 : i32
      %dma_wait3A_193 = tpu.memref_slice %arg7[%dma_wait3A_190, %dma_wait3A_191, %dma_wait3A_192] : memref<10x128x32xf32, #tpu.memory_space<vmem>> -> memref<1x128x32xf32, #tpu.memory_space<vmem>>
      %dma_wait3A_194 = tpu.memref_squeeze %dma_wait3A_193 : memref<1x128x32xf32, #tpu.memory_space<vmem>> -> memref<128x32xf32, #tpu.memory_space<vmem>>
      %dma_wait3A_195 = arith.constant 0 : i32
      %dma_wait3A_196 = tpu.memref_slice %arg6[%dma_wait3A_189, %dma_wait3A_195] : memref<10x128xi32, #tpu.memory_space<vmem>> -> memref<1x128xi32, #tpu.memory_space<vmem>>
      %dma_wait3A_197 = tpu.memref_squeeze %dma_wait3A_196 : memref<1x128xi32, #tpu.memory_space<vmem>> -> memref<128xi32, #tpu.memory_space<vmem>>
      %dma_wait3A_198 = arith.constant 0 : i32
      %dma_wait3A_199 = arith.constant 0 : i32
      %dma_wait3A_200 = tpu.memref_slice %arg3[%dma_wait3A_198, %dma_wait3A_199] : memref<1000001x32xf32, #tpu.memory_space<hbm>> -> memref<1000001x32xf32, #tpu.memory_space<hbm>>
      tpu.wait_indirect_dma semaphore(%arg9 : memref<!tpu.dma_semaphore, #tpu.memory_space<semaphore_mem>>) src(%dma_wait3A_200 : memref<1000001x32xf32, #tpu.memory_space<hbm>>) dst(%dma_wait3A_194 : memref<128x32xf32, #tpu.memory_space<vmem>>)
      %dma_wait3A_201 = arith.constant 6 : i32
      %dma_wait3A_202 = arith.constant 6 : i32
      %dma_wait3A_203 = arith.constant 0 : i32
      %dma_wait3A_204 = arith.constant 0 : i32
      %dma_wait3A_205 = tpu.memref_slice %arg7[%dma_wait3A_202, %dma_wait3A_203, %dma_wait3A_204] : memref<10x128x32xf32, #tpu.memory_space<vmem>> -> memref<1x128x32xf32, #tpu.memory_space<vmem>>
      %dma_wait3A_206 = tpu.memref_squeeze %dma_wait3A_205 : memref<1x128x32xf32, #tpu.memory_space<vmem>> -> memref<128x32xf32, #tpu.memory_space<vmem>>
      %dma_wait3A_207 = arith.constant 0 : i32
      %dma_wait3A_208 = tpu.memref_slice %arg6[%dma_wait3A_201, %dma_wait3A_207] : memref<10x128xi32, #tpu.memory_space<vmem>> -> memref<1x128xi32, #tpu.memory_space<vmem>>
      %dma_wait3A_209 = tpu.memref_squeeze %dma_wait3A_208 : memref<1x128xi32, #tpu.memory_space<vmem>> -> memref<128xi32, #tpu.memory_space<vmem>>
      %dma_wait3A_210 = arith.constant 0 : i32
      %dma_wait3A_211 = arith.constant 0 : i32
      %dma_wait3A_212 = tpu.memref_slice %arg3[%dma_wait3A_210, %dma_wait3A_211] : memref<1000001x32xf32, #tpu.memory_space<hbm>> -> memref<1000001x32xf32, #tpu.memory_space<hbm>>
      tpu.wait_indirect_dma semaphore(%arg9 : memref<!tpu.dma_semaphore, #tpu.memory_space<semaphore_mem>>) src(%dma_wait3A_212 : memref<1000001x32xf32, #tpu.memory_space<hbm>>) dst(%dma_wait3A_206 : memref<128x32xf32, #tpu.memory_space<vmem>>)
      %dma_wait3A_213 = arith.constant 7 : i32
      %dma_wait3A_214 = arith.constant 7 : i32
      %dma_wait3A_215 = arith.constant 0 : i32
      %dma_wait3A_216 = arith.constant 0 : i32
      %dma_wait3A_217 = tpu.memref_slice %arg7[%dma_wait3A_214, %dma_wait3A_215, %dma_wait3A_216] : memref<10x128x32xf32, #tpu.memory_space<vmem>> -> memref<1x128x32xf32, #tpu.memory_space<vmem>>
      %dma_wait3A_218 = tpu.memref_squeeze %dma_wait3A_217 : memref<1x128x32xf32, #tpu.memory_space<vmem>> -> memref<128x32xf32, #tpu.memory_space<vmem>>
      %dma_wait3A_219 = arith.constant 0 : i32
      %dma_wait3A_220 = tpu.memref_slice %arg6[%dma_wait3A_213, %dma_wait3A_219] : memref<10x128xi32, #tpu.memory_space<vmem>> -> memref<1x128xi32, #tpu.memory_space<vmem>>
      %dma_wait3A_221 = tpu.memref_squeeze %dma_wait3A_220 : memref<1x128xi32, #tpu.memory_space<vmem>> -> memref<128xi32, #tpu.memory_space<vmem>>
      %dma_wait3A_222 = arith.constant 0 : i32
      %dma_wait3A_223 = arith.constant 0 : i32
      %dma_wait3A_224 = tpu.memref_slice %arg3[%dma_wait3A_222, %dma_wait3A_223] : memref<1000001x32xf32, #tpu.memory_space<hbm>> -> memref<1000001x32xf32, #tpu.memory_space<hbm>>
      tpu.wait_indirect_dma semaphore(%arg9 : memref<!tpu.dma_semaphore, #tpu.memory_space<semaphore_mem>>) src(%dma_wait3A_224 : memref<1000001x32xf32, #tpu.memory_space<hbm>>) dst(%dma_wait3A_218 : memref<128x32xf32, #tpu.memory_space<vmem>>)
      %dma_wait3A_225 = arith.constant 8 : i32
      %dma_wait3A_226 = arith.constant 8 : i32
      %dma_wait3A_227 = arith.constant 0 : i32
      %dma_wait3A_228 = arith.constant 0 : i32
      %dma_wait3A_229 = tpu.memref_slice %arg7[%dma_wait3A_226, %dma_wait3A_227, %dma_wait3A_228] : memref<10x128x32xf32, #tpu.memory_space<vmem>> -> memref<1x128x32xf32, #tpu.memory_space<vmem>>
      %dma_wait3A_230 = tpu.memref_squeeze %dma_wait3A_229 : memref<1x128x32xf32, #tpu.memory_space<vmem>> -> memref<128x32xf32, #tpu.memory_space<vmem>>
      %dma_wait3A_231 = arith.constant 0 : i32
      %dma_wait3A_232 = tpu.memref_slice %arg6[%dma_wait3A_225, %dma_wait3A_231] : memref<10x128xi32, #tpu.memory_space<vmem>> -> memref<1x128xi32, #tpu.memory_space<vmem>>
      %dma_wait3A_233 = tpu.memref_squeeze %dma_wait3A_232 : memref<1x128xi32, #tpu.memory_space<vmem>> -> memref<128xi32, #tpu.memory_space<vmem>>
      %dma_wait3A_234 = arith.constant 0 : i32
      %dma_wait3A_235 = arith.constant 0 : i32
      %dma_wait3A_236 = tpu.memref_slice %arg3[%dma_wait3A_234, %dma_wait3A_235] : memref<1000001x32xf32, #tpu.memory_space<hbm>> -> memref<1000001x32xf32, #tpu.memory_space<hbm>>
      tpu.wait_indirect_dma semaphore(%arg9 : memref<!tpu.dma_semaphore, #tpu.memory_space<semaphore_mem>>) src(%dma_wait3A_236 : memref<1000001x32xf32, #tpu.memory_space<hbm>>) dst(%dma_wait3A_230 : memref<128x32xf32, #tpu.memory_space<vmem>>)
      %dma_wait3A_237 = arith.constant 9 : i32
      %dma_wait3A_238 = arith.constant 9 : i32
      %dma_wait3A_239 = arith.constant 0 : i32
      %dma_wait3A_240 = arith.constant 0 : i32
      %dma_wait3A_241 = tpu.memref_slice %arg7[%dma_wait3A_238, %dma_wait3A_239, %dma_wait3A_240] : memref<10x128x32xf32, #tpu.memory_space<vmem>> -> memref<1x128x32xf32, #tpu.memory_space<vmem>>
      %dma_wait3A_242 = tpu.memref_squeeze %dma_wait3A_241 : memref<1x128x32xf32, #tpu.memory_space<vmem>> -> memref<128x32xf32, #tpu.memory_space<vmem>>
      %dma_wait3A_243 = arith.constant 0 : i32
      %dma_wait3A_244 = tpu.memref_slice %arg6[%dma_wait3A_237, %dma_wait3A_243] : memref<10x128xi32, #tpu.memory_space<vmem>> -> memref<1x128xi32, #tpu.memory_space<vmem>>
      %dma_wait3A_245 = tpu.memref_squeeze %dma_wait3A_244 : memref<1x128xi32, #tpu.memory_space<vmem>> -> memref<128xi32, #tpu.memory_space<vmem>>
      %dma_wait3A_246 = arith.constant 0 : i32
      %dma_wait3A_247 = arith.constant 0 : i32
      %dma_wait3A_248 = tpu.memref_slice %arg3[%dma_wait3A_246, %dma_wait3A_247] : memref<1000001x32xf32, #tpu.memory_space<hbm>> -> memref<1000001x32xf32, #tpu.memory_space<hbm>>
      tpu.wait_indirect_dma semaphore(%arg9 : memref<!tpu.dma_semaphore, #tpu.memory_space<semaphore_mem>>) src(%dma_wait3A_248 : memref<1000001x32xf32, #tpu.memory_space<hbm>>) dst(%dma_wait3A_242 : memref<128x32xf32, #tpu.memory_space<vmem>>)
      %scan3A_249 = arith.constant 0 : i32
      %scan3A_250 = arith.constant 0 : i32
      %scan3A_251 = arith.constant 10 : i32
      %scan3A_252 = arith.addi %scan3A_250, %scan3A_251 : i32
      %scan3A_253 = arith.constant 1 : i32
      scf.for %scan3A_255 = %scan3A_250 to %scan3A_252 step %scan3A_253  : i32 {
        %add3A_256 = arith.addi %mul3A_10, %scan3A_255 : i32
        %get3A = arith.index_cast %add3A_256 : i32 to index
        %get3A_257 = arith.constant 0 : index
        %get3A_258 = tpu.vector_load %arg8[%get3A, %get3A_257] {strides = array<i32>} : memref<200x32xf32, #tpu.memory_space<vmem>>, vector<16xf32>,
        %add3A_259 = arith.addi %mul3A_10, %scan3A_255 : i32
        %get3A_260 = arith.index_cast %add3A_259 : i32 to index
        %get3A_261 = arith.constant 16 : index
        %get3A_262 = tpu.vector_load %arg8[%get3A_260, %get3A_261] {strides = array<i32>} : memref<200x32xf32, #tpu.memory_space<vmem>>, vector<16xf32>,
        %scan3A_263 = arith.constant 0 : i32
        %scan3A_264 = arith.constant 0 : i32
        %scan3A_265 = arith.constant 128 : i32
        %scan3A_266 = arith.addi %scan3A_264, %scan3A_265 : i32
        %scan3A_267 = arith.constant 1 : i32
        scf.for %scan3A_269 = %scan3A_264 to %scan3A_266 step %scan3A_267  : i32 {
          %get3A_270 = arith.index_cast %scan3A_255 : i32 to index
          %get3A_271 = arith.index_cast %scan3A_269 : i32 to index
          %get3A_272 = arith.constant 0 : index
          %get3A_273 = tpu.vector_load %arg7[%get3A_270, %get3A_271, %get3A_272] {strides = array<i32>} : memref<10x128x32xf32, #tpu.memory_space<vmem>>, vector<16xf32>,
          %add3A_274 = arith.addf %get3A_273, %get3A_258 : vector<16xf32>
          %swap3A = arith.index_cast %scan3A_255 : i32 to index
          %swap3A_275 = arith.index_cast %scan3A_269 : i32 to index
          %swap3A_276 = arith.constant 0 : index
          %swap3A_277 = tpu.vector_load %arg7[%swap3A, %swap3A_275, %swap3A_276] {strides = array<i32>} : memref<10x128x32xf32, #tpu.memory_space<vmem>>, vector<16xf32>,
          tpu.vector_store %arg7[%swap3A, %swap3A_275, %swap3A_276], %add3A_274 {strides = array<i32>} : memref<10x128x32xf32, #tpu.memory_space<vmem>>, vector<16xf32>,
          %get3A_278 = arith.index_cast %scan3A_255 : i32 to index
          %get3A_279 = arith.index_cast %scan3A_269 : i32 to index
          %get3A_280 = arith.constant 16 : index
          %get3A_281 = tpu.vector_load %arg7[%get3A_278, %get3A_279, %get3A_280] {strides = array<i32>} : memref<10x128x32xf32, #tpu.memory_space<vmem>>, vector<16xf32>,
          %add3A_282 = arith.addf %get3A_281, %get3A_262 : vector<16xf32>
          %swap3A_283 = arith.index_cast %scan3A_255 : i32 to index
          %swap3A_284 = arith.index_cast %scan3A_269 : i32 to index
          %swap3A_285 = arith.constant 16 : index
          %swap3A_286 = tpu.vector_load %arg7[%swap3A_283, %swap3A_284, %swap3A_285] {strides = array<i32>} : memref<10x128x32xf32, #tpu.memory_space<vmem>>, vector<16xf32>,
          tpu.vector_store %arg7[%swap3A_283, %swap3A_284, %swap3A_285], %add3A_282 {strides = array<i32>} : memref<10x128x32xf32, #tpu.memory_space<vmem>>, vector<16xf32>,
        }
        %scan3A_268 = arith.constant 128 : i32
      }
      %scan3A_254 = arith.constant 10 : i32
      "tpu.region"() ({
        %run_scoped3A = tpu.sem_alloc : memref<!tpu.dma_semaphore, #tpu.memory_space<semaphore_mem>>
        %dma_start3A_255 = arith.constant 0 : i32
        %dma_start3A_256 = tpu.memref_slice %arg5[%mul3A_10, %mul3A_2, %dma_start3A_255] : memref<200x4096x32xf32, #tpu.memory_space<hbm>> -> memref<10x128x32xf32, #tpu.memory_space<hbm>>
        %dma_start3A_257 = arith.constant 0 : i32
        %dma_start3A_258 = tpu.memref_slice %arg5[%mul3A_10, %mul3A_2, %dma_start3A_257] : memref<200x4096x32xf32, #tpu.memory_space<hbm>> -> memref<10x128x32xf32, #tpu.memory_space<hbm>>
        tpu.enqueue_dma source(%arg7 : memref<10x128x32xf32, #tpu.memory_space<vmem>>) target(%dma_start3A_258 : memref<10x128x32xf32, #tpu.memory_space<hbm>>) target_semaphore(%run_scoped3A : memref<!tpu.dma_semaphore, #tpu.memory_space<semaphore_mem>>)
        %dma_wait3A_259 = arith.constant 0 : i32
        %dma_wait3A_260 = tpu.memref_slice %arg5[%mul3A_10, %mul3A_2, %dma_wait3A_259] : memref<200x4096x32xf32, #tpu.memory_space<hbm>> -> memref<10x128x32xf32, #tpu.memory_space<hbm>>
        %dma_wait3A_261 = arith.constant 0 : i32
        %dma_wait3A_262 = tpu.memref_slice %arg5[%mul3A_10, %mul3A_2, %dma_wait3A_261] : memref<200x4096x32xf32, #tpu.memory_space<hbm>> -> memref<10x128x32xf32, #tpu.memory_space<hbm>>
        tpu.wait_dma2 semaphore(%run_scoped3A : memref<!tpu.dma_semaphore, #tpu.memory_space<semaphore_mem>>) src(%arg7 : memref<10x128x32xf32, #tpu.memory_space<vmem>>) dst(%dma_wait3A_262 : memref<10x128x32xf32, #tpu.memory_space<hbm>>)
        tpu.yield
      }) : () -> ()
    }
    %scan3A_7 = arith.constant 20 : i32
    return
  }
}

</mosaic_0001>

<sc_bundles>
// kernel: kernel.3.cloned.1.call-start
scs
__scs_entry_jumppad:
0x0: {  	(pc) =	sbr.rel $0x88, $3  }
0x1: {  	(tag) =	ssettag $0x0;
	lr =	simm.s32 $0x1  }
0x2: {  	[smem:$0x3F9E] =	sst lr;
	_ =	strace $0xD0000000  }
0x3: {  	_ = 	snop  }
0x4: {  	_ = 	snop  }
0x5: {  	_ = 	snop  }
0x6: {  	_ = 	snop  }
0x7: {  	_ = 	snop  }
__scs_overlays_trampoline_lowered:
0x8: {  	[smem:$0x3FAD] =	sst s0  }
0x9: {  	[smem:$0x3FAE] =	sst s1  }
0xa: {  	[smem:$0x3FAF] =	sst s2  }
0xb: {  	[smem:$0x3FB0] =	sst s3  }
0xc: {  	[smem:$0x3FB1] =	sst s4  }
0xd: {  	[smem:$0x3FB2] =	sst s5  }
0xe: {  	[smem:$0x3FB3] =	sst s6  }
0xf: {  	[smem:$0x3FB4] =	sst s7  }
0x10: {  	[smem:$0x3FB5] =	sst s8  }
0x11: {  	[smem:$0x3FB6] =	sst s9;
	s0 =	simm.s32 @!p0 $0x0  }
0x12: {  	s1 =	sld [smem:$0x3F9C];
	s0 =	simm.s32 @p0 $0x1  }
0x13: {  	[smem:$0x3FB7] =	sst s0;
	s0 =	simm.s32 @!p1 $0x0  }
0x14: {  	s2 =	sld [smem:$0x3F9B];
	s0 =	simm.s32 @p1 $0x1  }
0x15: {  	[smem:$0x3FB8] =	sst s0;
	s0 =	simm.s32 @!p2 $0x0  }
0x16: {  	s3 =	sld [smem:$0x3FDB];
	s0 =	simm.s32 @p2 $0x1  }
0x17: {  	s4 =	simm.s32 $0x1BF5;
	[smem:$0x3FBA] =	sst s0  }
0x18: {  	s0 =	sld [smem:$0x3F9D];
	_ =	swait.ge [sflag:s4], $0x0  }
0x19: {  	s7 =	sld [smem:$0x3F9E]  }
0x1a: {  	s8 =	sadd.s32 $0xFFFFE003, lr  }
0x1b: {  	s9 =	sadd.s32 $0xFFFFFEF7, lr;
	s5 =	simm.s32 $0xFFFFFFFF;
	p2 =	slt.u32 s8, $0xFFFFF086  }
0x1c: {  	p1 =	slt.u32 s9, $0xF7A;
	s5 =	simm.s32 @!p2 $0x0  }
0x1d: {  	s5 =	simm.s32 @p1 $0x1;
	p0 =	seq.s32 s7, s2  }
0x1e: {  	s7 =	smul.u32 @!p0 $0xF7A, s2;
	p2 =	seq.s32 @!p0 s5, $0x0  }
0x1f: {  	s9 =	smul.u32 $0xF7A, s1;
	s8 =	simm.s32 @!p0 $0x1BF5;
	p2 =	por !p2, p0  }
0x20: {  	[sflag:s8] =	ssyncset.s32 @!p0 $0xFFFFF086;
	s6 =	sadd.s32 @!p0 s3, s7;
	s7 =	simm.s32 @!p0 $0x108  }
0x21: {  	s3 =	sadd.s32 s3, s9;
	s6 =	sadd.s32 @!p0 $0x88, s6;
	s7 =	simm.s32 @p2 $0x1082  }
0x22: {  	[simem:s7], [sflag:s8] =	dma.local @!p0 [hbm:s6], $0xF7A  }
0x23: {  	s9 =	sor.u32 $0xD0000000, s2;
	s6 =	simm.s32 $0x108;
	_ =	swait.ge @!p0 [sflag:s8], $0x0  }
0x24: {  	s3 =	sadd.s32 $0x88, s3;
	s6 =	simm.s32 @!p1 $0x1082;
	[sflag:s4] =	ssyncset.s32 $0xFFFFF086  }
0x25: {  	[simem:s6], [sflag:s4] =	dma.local [hbm:s3], $0xF7A  }
0x26: {  	[smem:$0x3F9E] =	sst s1;
	(tag) =	ssettag s2;
	_ =	strace s9  }
0x27: {  	s1 =	sld [smem:$0x3FAE]  }
0x28: {  	s2 =	sld [smem:$0x3FAF]  }
0x29: {  	s4 =	sld [smem:$0x3FB1]  }
0x2a: {  	p0 =	seq.s32 s5, $0x0;
	s5 =	sld [smem:$0x3FB2]  }
0x2b: {  	s6 =	sld [smem:$0x3FB3]  }
0x2c: {  	s7 =	sld [smem:$0x3FB4]  }
0x2d: {  	s3 =	simm.s32 $0x108;
	s8 =	sld [smem:$0x3FB5]  }
0x2e: {  	s3 =	simm.s32 @!p0 $0x1082;
	s9 =	sld [smem:$0x3FB6]  }
0x2f: {  	lr =	sadd.s32 s0, s3;
	s0 =	sld [smem:$0x3FAD]  }
0x30: {  	s3 =	sld [smem:$0x3FB0]  }
0x31: {  	[smem:$0x3FB9] =	sst s10  }
0x32: {  	s10 =	sld [smem:$0x3FB7];
	_ =	sdelay $0x3  }
0x33: {  	p0 =	seq.s32 s10, $0x1;
	s10 =	sld [smem:$0x3FB9];
	_ =	sdelay $0x3  }
0x34: {  	[smem:$0x3FB9] =	sst s10  }
0x35: {  	s10 =	sld [smem:$0x3FB8];
	_ =	sdelay $0x3  }
0x36: {  	p1 =	seq.s32 s10, $0x1;
	s10 =	sld [smem:$0x3FB9];
	_ =	sdelay $0x3  }
0x37: {  	[smem:$0x3FB9] =	sst s10  }
0x38: {  	s10 =	sld [smem:$0x3FBA]  }
0x39: {  	_ = 	snop;
	(pc) =	sbr.ind lr, $3  }
0x3a: {  	_ = 	snop  }
0x3b: {  	_ = 	snop  }
0x3c: {  	p2 =	seq.s32 s10, $0x1;
	s10 =	sld [smem:$0x3FB9]  }
0x3d: {  	_ =	shalt  }
0x3e: {  	_ =	shalt  }
0x3f: {  	_ =	shalt  }
0x40: {  	_ =	shalt  }
0x41: {  	_ =	shalt  }
0x42: {  	_ =	shalt  }
0x43: {  	_ =	shalt  }
0x44: {  	_ =	shalt  }
0x45: {  	_ =	shalt  }
0x46: {  	_ =	shalt  }
0x47: {  	_ =	shalt  }
0x48: {  	_ =	shalt  }
0x49: {  	_ =	shalt  }
0x4a: {  	_ =	shalt  }
0x4b: {  	_ =	shalt  }
0x4c: {  	_ =	shalt  }
0x4d: {  	_ =	shalt  }
0x4e: {  	_ =	shalt  }
0x4f: {  	_ =	shalt  }
0x50: {  	_ =	shalt  }
0x51: {  	_ =	shalt  }
0x52: {  	_ =	shalt  }
0x53: {  	_ =	shalt  }
0x54: {  	_ =	shalt  }
0x55: {  	_ =	shalt  }
0x56: {  	_ =	shalt  }
0x57: {  	_ =	shalt  }
0x58: {  	_ =	shalt  }
0x59: {  	_ =	shalt  }
0x5a: {  	_ =	shalt  }
0x5b: {  	_ =	shalt  }
0x5c: {  	_ =	shalt  }
0x5d: {  	_ =	shalt  }
0x5e: {  	_ =	shalt  }
0x5f: {  	_ =	shalt  }
0x60: {  	_ =	shalt  }
0x61: {  	_ =	shalt  }
0x62: {  	_ =	shalt  }
0x63: {  	_ =	shalt  }
0x64: {  	_ =	shalt  }
0x65: {  	_ =	shalt  }
0x66: {  	_ =	shalt  }
0x67: {  	_ =	shalt  }
0x68: {  	_ =	shalt  }
0x69: {  	_ =	shalt  }
0x6a: {  	_ =	shalt  }
0x6b: {  	_ =	shalt  }
0x6c: {  	_ =	shalt  }
0x6d: {  	_ =	shalt  }
0x6e: {  	_ =	shalt  }
0x6f: {  	_ =	shalt  }
0x70: {  	_ =	shalt  }
0x71: {  	_ =	shalt  }
0x72: {  	_ =	shalt  }
0x73: {  	_ =	shalt  }
0x74: {  	_ =	shalt  }
0x75: {  	_ =	shalt  }
0x76: {  	_ =	shalt  }
0x77: {  	_ =	shalt  }
0x78: {  	_ =	shalt  }
0x79: {  	_ =	shalt  }
0x7a: {  	_ =	shalt  }
0x7b: {  	_ =	shalt  }
0x7c: {  	_ =	shalt  }
0x7d: {  	_ =	shalt  }
0x7e: {  	_ =	shalt  }
0x7f: {  	_ =	shalt  }
0x80: {  	_ =	shalt  }
0x81: {  	_ =	shalt  }
0x82: {  	_ =	shalt  }
0x83: {  	_ =	shalt  }
0x84: {  	_ =	shalt  }
0x85: {  	_ =	shalt  }
0x86: {  	_ =	shalt  }
0x87: {  	_ =	shalt  }
.Lfunc_end0:
.L_simem_size_0:
called_computation.1_lowered:
.L_overlay_start_0:
0x88: {  	s2 =	sld [smem:$0x3FD9]  }
0x89: {  	s3 =	sld [smem:$0x3FFE];
	_ =	sdelay $0x1  }
0x8a: {  	s1 =	srdreg.scid  }
0x8b: {  	s0 =	sand.u32 $0x1, s1  }
0x8c: {  	s17 =	sshll.u32 s0, $0xA;
	s2 =	sadd.s32 s3, s2  }
0x8d: {  	s2 =	sadd.s32 s2, s17  }
0x8e: {  	[smem:$0x3FC5] =	sst s2  }
0x8f: {  	_ = 	snop  }
0x90: {  	s2 =	sld [smem:$0x3FD0];
	(tm) =	ssettm $0x1  }
0x91: {  	s18 =	sld [smem:$0x3FFB];
	_ =	sdelay $0x3  }
0x92: {  	_ =	strace s18  }
0x93: {  	s3 =	sld [smem:$0x3FFC];
	_ =	sdelay $0x3  }
0x94: {  	_ =	strace s3  }
0x95: {  	s3 =	sld [smem:$0x3FFD];
	_ =	sdelay $0x3  }
0x96: {  	_ =	strace s3  }
0x97: {  	_ =	strace $0x8FFFFFFF  }
0x98: {  	s19 =	sld [smem:$0x3FDB];
	_ =	sdelay $0x1  }
0x99: {  	s4 =	simm.s32 $_scs_section_size  }
0x9a: {  	s5 =	simm.s32 $_size__tile_overlayer_lowered;
	s6 =	simm.s32 $_tile_overlayer_lowered  }
0x9b: {  	s22 =	simm.s32 $0x1BFF;
	s21 =	sshll.u32 s6, $0x1;
	s3 =	sadd.s32 s4, s19  }
0x9c: {  	s7 =	simm.s32 $0x0;
	s20 =	sshll.u32 s5, $0x1;
	s5 =	sadd.s32 s21, s3  }
0x9d: {  	[timem:s7], [sflag:s22] =	dma.local [hbm:s5], s20  }
0x9e: {  	_ =	swait.ge [sflag:s22], s20  }
0x9f: {  	s4 =	ssub.s32 $0x0, s20;
	[sflag:s22] =	ssyncset.done $0x0  }
0xa0: {  	[sflag:s22] =	ssyncadd.s32 s4;
	_ =	sdelay $0x1  }
0xa1: {  	s23 =	simm.s32 $0x1B8B  }
0xa2: {  	_ =	swait.ge [sflag:s23], $0x1  }
0xa3: {  	[sflag:s23] =	ssyncset.done $0x0  }
0xa4: {  	s25 =	simm.s32 $0x1B8E;
	s24 =	sld [smem:$0x3FFE];
	[sflag:s23] =	ssyncadd.s32 $0xFFFFFFFF  }
0xa5: {  	s26 =	simm.s32 $execute0_lowered;
	[smem:$0x3FD2] =	sst s25  }
0xa6: {  	s5 =	sshll.u32 s26, $0x1;
	_ =	strace $0x80000046;
	[dreg:$0x1] =	wrdreg $0xFFFFFFFF  }
0xa7: {  	s28 =	simm.s32 $_size_execute0_lowered;
	s3 =	sadd.s32 s3, s5;
	[dreg:$0x0] =	wrdreg $0x0  }
0xa8: {  	s5 =	sshll.u32 s28, $0x1;
	[dreg:$0x2] =	wrdreg s3  }
0xa9: {  	[dreg:$0x3] =	wrdreg s5  }
0xaa: {  	[dreg:$0x4] =	wrdreg $0xC0  }
0xab: {  	_ =	task [dreg:s7], $0x5FFFF  }
0xac: {  	[dreg:$0x1] =	wrdreg $0xFFFFFFFF  }
0xad: {  	[dreg:$0x0] =	wrdreg $0x60  }
0xae: {  	[dreg:$0x2] =	wrdreg s24  }
0xaf: {  	[dreg:$0x3] =	wrdreg s2  }
0xb0: {  	[dreg:$0x4] =	wrdreg $0x9  }
0xb1: {  	_ =	task.clear_ibuf [dreg:s7], $0x5FFFF;
	_ =	strace $0x90000046  }
0xb2: {  	s29 =	simm.s32 $0x9;
	_ =	strace $0x80000048  }
0xb3: {  	_ =	swait.ge [sflag:s29], $0x1  }
0xb4: {  	[sflag:s29] =	ssyncadd.s32 $0xFFFFFFFF  }
0xb5: {  	_ =	strace $0x90000048  }
0xb6: {  	_ =	sfence  }
0xb7: {  	s30 =	sld [smem:$0x0];
	_ =	sdelay $0x2  }
0xb8: {  	s31 =	sshll.u32 s1, $0xD;
	s1 =	sshrl.u32 s1, $0x2  }
0xb9: {  	s3 =	sand.u32 $0x4000, s31;
	s1 =	sadd.s32 s1, s30  }
0xba: {  	s0 =	sor.u32 s3, s0;
	s1 =	sshll.u32 s1, $0x11  }
0xbb: {  	s0 =	sor.u32 s1, s0  }
0xbc: {  	s0 =	sadd.s32 $0x8F2B, s0  }
0xbd: {  	[sflag:s0] =	ssyncadd.remote.s32 $0x1  }
0xbe: {  	_ =	sfence.sel $0xFFFF  }
0xbf: {  	[dreg:$0x0] =	wrdreg $0xFFFFFFFF;
	(pc) =	sbr.abs _section_cstart, $3  }
0xc0: {  	[dreg:$0x1] =	wrdreg $0xFFFFFFFF  }
0xc1: {  	_ =	task.clear_ibuf [dreg:s7], $0x2FFFF;
	_ =	strace $0x9FFFFFFF  }
0xc2: {  	(tm) =	ssettm $0x7FFFFFFF  }
0xc3: {  	_ =	shalt  }
tec
execute0_lowered:
.L_overlay_start_1:
0x0: {  	(tag) =	ssettag $0x1  }
0x1: {  	s0 =	rddreg [dreg:$0x0];
	s1 =	simm.s32 $0x0  }
0x2: {  	s25 =	srdreg.scid;
	s6 =	stileid.u32;
	s11 =	simm.s32 $0x2  }
0x3: {  	s12 =	simm.s32 $0x80;
	s13 =	simm.s32 $0x1000;
	s17 =	simm.s32 $0x180  }
0x4: {  	s18 =	simm.s32 $0x3500;
	s19 =	simm.s32 $0x200;
	s20 =	simm.s32 $0x4500  }
0x5: {  	s21 =	simm.s32 $0x280;
	s22 =	simm.s32 $0x5500;
	s23 =	simm.s32 $0x300  }
0x6: {  	s24 =	simm.s32 $0x6500;
	s28 =	simm.s32 $0x400;
	s29 =	simm.s32 $0x8500  }
0x7: {  	s30 =	simm.s32 $0x480;
	s31 =	simm.s32 $0x9500;
	[smem:$0x7FF] =	sst s1  }
0x8: {  	s4 =	sadd.s32 $0xC00, s0;
	s1 =	sand.u32 $0x1, s25;
	s5 =	sadd.s32 $0xF43200, s0  }
0x9: {  	s6 =	sshll.u32 s6, $0x8;
	s0 =	sadd.s32 $0x19C00, s0;
	s25 =	simm.s32 $0x380  }
0xa: {  	_ =	strace $0x80000047;
	s2 =	ssub.s32 $0x2, s1;
	s1 =	sshll.u32 s1, $0x7  }
0xb: {  	[dreg:$0x3] =	wrdreg s0;
	s3 =	sshrl.u32 s2, $0x1;
	s7 =	sor.u32 s1, s6  }
0xc: {  	s6 =	simm.s32 $0x0;
	s26 =	ssub.s32 s2, s3;
	s8 =	sshll.u32 s7, $0x5  }
0xd: {  	s3 =	simm.s32 $0x20000;
	s2 =	simm.s32 $0x500;
	s0 =	smax.u32 s26, $0x1  }
0xe: {  	s26 =	simm.s32 $0x7500;
	[dreg:$0x4] =	wrdreg s0;
	s0 =	simm.s32 $0x1  }
.LBB2_1:
0xf: {  	[dreg:$0x5] =	wrdreg s6  }
0x10: {  	s1 =	simm.s32 $0x0;
	s16 =	rddreg [dreg:$0x3];
	s9 =	simm.s32 $0xA500  }
0x11: {  	[tilespmem:s9], [sflag:$0x2] =	stream.linear.gather [hbm4b:s16+s1], $0x1900, $0x38;
	[tilespmem:$0xBE00] =	vst v63  }
0x12: {  	_ =	swait.ge [sflag:s11], $0x1900  }
0x13: {  	[sflag:s11] =	ssyncset.done $0x0  }
0x14: {  	s6 =	simm.s32 $0x0;
	[sflag:s11] =	ssyncadd.s32 $0xFFFFE700  }
.LBB2_2:
0x15: {  	s1 =	smul.u32 $0xA000, s6;
	_ =	sdelay $0x1  }
0x16: {  	s1 =	sor.u32 s7, s1  }
0x17: {  	s1 =	sshrl.u32 s1, $0x3  }
0x18: {  	s9 =	simm.s32 $0x0;
	s1 =	sadd.s32 s4, s1  }
0x19: {  	[tilespmem:s9], [sflag:$0x2] =	stream.strided.gather [hbm4b:s1+s12], $0x500, s13, s12, $0x38;
	[tilespmem:$0xBE00] =	vst v63  }
0x1a: {  	_ =	swait.ge [sflag:s11], $0x500  }
0x1b: {  	[sflag:s11] =	ssyncset.done $0x0  }
0x1c: {  	s10 =	simm.s32 $0x500;
	[sflag:s11] =	ssyncadd.s32 $0xFFFFFB00  }
0x1d: {  	[tilespmem:s10], [sflag:$0x1] =	stream.indirect.gather [hbm4b:s5+s12], $0x20, s9, s12, $0xb8;
	[tilespmem:$0xBE00] =	vst v63  }
0x1e: {  	s15 =	simm.s32 $0x1500  }
0x1f: {  	[tilespmem:s15], [sflag:$0x1] =	stream.indirect.gather [hbm4b:s5+s12], $0x20, s12, s12, $0xb8;
	[tilespmem:$0xBE00] =	vst v63  }
0x20: {  	s16 =	simm.s32 $0x100;
	s14 =	simm.s32 $0x2500  }
0x21: {  	[tilespmem:s14], [sflag:$0x1] =	stream.indirect.gather [hbm4b:s5+s12], $0x20, s16, s12, $0xb8;
	[tilespmem:$0xBE00] =	vst v63  }
0x22: {  	_ = 	snop  }
0x23: {  	[tilespmem:s18], [sflag:$0x1] =	stream.indirect.gather [hbm4b:s5+s12], $0x20, s17, s12, $0xb8;
	[tilespmem:$0xBE00] =	vst v63  }
0x24: {  	_ = 	snop  }
0x25: {  	[tilespmem:s20], [sflag:$0x1] =	stream.indirect.gather [hbm4b:s5+s12], $0x20, s19, s12, $0xb8;
	[tilespmem:$0xBE00] =	vst v63  }
0x26: {  	_ = 	snop  }
0x27: {  	[tilespmem:s22], [sflag:$0x1] =	stream.indirect.gather [hbm4b:s5+s12], $0x20, s21, s12, $0xb8;
	[tilespmem:$0xBE00] =	vst v63  }
0x28: {  	_ = 	snop  }
0x29: {  	[tilespmem:s24], [sflag:$0x1] =	stream.indirect.gather [hbm4b:s5+s12], $0x20, s23, s12, $0xb8;
	[tilespmem:$0xBE00] =	vst v63  }
0x2a: {  	_ = 	snop  }
0x2b: {  	[tilespmem:s26], [sflag:$0x1] =	stream.indirect.gather [hbm4b:s5+s12], $0x20, s25, s12, $0xb8;
	[tilespmem:$0xBE00] =	vst v63  }
0x2c: {  	_ = 	snop  }
0x2d: {  	[tilespmem:s29], [sflag:$0x1] =	stream.indirect.gather [hbm4b:s5+s12], $0x20, s28, s12, $0xb8;
	[tilespmem:$0xBE00] =	vst v63  }
0x2e: {  	_ = 	snop  }
0x2f: {  	[tilespmem:s31], [sflag:$0x1] =	stream.indirect.gather [hbm4b:s5+s12], $0x20, s30, s12, $0xb8;
	[tilespmem:$0xBE00] =	vst v63  }
0x30: {  	_ =	swait.ge [sflag:s0], $0x1000  }
0x31: {  	[sflag:s0] =	ssyncset.done $0x0  }
0x32: {  	[sflag:s0] =	ssyncadd.s32 $0xFFFFF000  }
0x33: {  	_ =	swait.ge [sflag:s0], $0x1000  }
0x34: {  	[sflag:s0] =	ssyncset.done $0x0  }
0x35: {  	[sflag:s0] =	ssyncadd.s32 $0xFFFFF000  }
0x36: {  	_ =	swait.ge [sflag:s0], $0x1000  }
0x37: {  	[sflag:s0] =	ssyncset.done $0x0  }
0x38: {  	[sflag:s0] =	ssyncadd.s32 $0xFFFFF000  }
0x39: {  	_ =	swait.ge [sflag:s0], $0x1000  }
0x3a: {  	[sflag:s0] =	ssyncset.done $0x0  }
0x3b: {  	[sflag:s0] =	ssyncadd.s32 $0xFFFFF000  }
0x3c: {  	_ =	swait.ge [sflag:s0], $0x1000  }
0x3d: {  	[sflag:s0] =	ssyncset.done $0x0  }
0x3e: {  	[sflag:s0] =	ssyncadd.s32 $0xFFFFF000  }
0x3f: {  	_ =	swait.ge [sflag:s0], $0x1000  }
0x40: {  	[sflag:s0] =	ssyncset.done $0x0  }
0x41: {  	[sflag:s0] =	ssyncadd.s32 $0xFFFFF000  }
0x42: {  	_ =	swait.ge [sflag:s0], $0x1000  }
0x43: {  	[sflag:s0] =	ssyncset.done $0x0  }
0x44: {  	[sflag:s0] =	ssyncadd.s32 $0xFFFFF000  }
0x45: {  	_ =	swait.ge [sflag:s0], $0x1000  }
0x46: {  	[sflag:s0] =	ssyncset.done $0x0  }
0x47: {  	[sflag:s0] =	ssyncadd.s32 $0xFFFFF000  }
0x48: {  	_ =	swait.ge [sflag:s0], $0x1000  }
0x49: {  	[sflag:s0] =	ssyncset.done $0x0  }
0x4a: {  	[sflag:s0] =	ssyncadd.s32 $0xFFFFF000  }
0x4b: {  	_ =	swait.ge [sflag:s0], $0x1000  }
0x4c: {  	[sflag:s0] =	ssyncset.done $0x0  }
0x4d: {  	s1 =	smul.u32 $0xA, s6;
	[sflag:s0] =	ssyncadd.s32 $0xFFFFF000  }
.LBB2_3:
0x4e: {  	v0 =	vmov s10  }
0x4f: {  	s14 =	sadd.s32 s1, s9  }
0x50: {  	s14 =	sshll.u32 s14, $0x5  }
0x51: {  	s15 =	sand.u32 $0x3FFFFFE0, s14  }
0x52: {  	s14 =	simm.s32 $0x0;
	v1 =	vld [tilespmem:s15+$0xA500]  }
0x53: {  	v2 =	vld.idx.msk [tilespmem:v0+s14+$0x0 ss:$0x1], $0xffff;
	_ =	sdelay $0x4  }
0x54: {  	v3 =	vadd.f32 v2, v1;
	_ =	sdelay $0x1  }
0x55: {  	v2 =	vld [tilespmem:s15+$0xA510];
	[tilespmem:v0+s14+$0x0 ss:$0x1] =	vst.idx.msk $0xffff, v3  }
0x56: {  	v3 =	vld.idx.msk [tilespmem:v0+s14+$0x10 ss:$0x1], $0xffff;
	_ =	sdelay $0x4  }
0x57: {  	s16 =	simm.s32 $0x100;
	s15 =	simm.s32 $0x80;
	v3 =	vadd.f32 v3, v2  }
.LBB2_4:
0x58: {  	p0 =	sne.s32 s16, $0x3F80  }
0x59: {  	[tilespmem:v0+s14+$0x10 ss:$0x1] =	vst.idx.msk $0xffff, v3;
	s14 =	sshra.s32 s15, $0x2;
	s15 =	smov.u32 s16;
	s16 =	sadd.s32 $0x80, s16  }
0x5a: {  	v3 =	vld.idx.msk [tilespmem:v0+s14+$0x0 ss:$0x1], $0xffff;
	_ =	sdelay $0x5  }
0x5b: {  	v3 =	vadd.f32 v3, v1;
	_ =	sdelay $0x1  }
0x5c: {  	[tilespmem:v0+s14+$0x0 ss:$0x1] =	vst.idx.msk $0xffff, v3  }
0x5d: {  	v3 =	vld.idx.msk [tilespmem:v0+s14+$0x10 ss:$0x1], $0xffff;
	_ =	sdelay $0x1  }
.Ltmp0:
0x5e: {  	(pc) =	sbr.rel @p0 .LBB2_4-.Ltmp0, $2  }
0x5f: {  	_ =	sdelay $0x2  }
0x60: {  	v3 =	vadd.f32 v3, v2  }
0x61: {  	_ =	sdelay $0x3  }
0x62: {  	s15 =	sshra.s32 s15, $0x2;
	[tilespmem:v0+s14+$0x10 ss:$0x1] =	vst.idx.msk $0xffff, v3  }
0x63: {  	v3 =	vld.idx.msk [tilespmem:v0+s15+$0x0 ss:$0x1], $0xffff;
	_ =	sdelay $0x4  }
0x64: {  	v1 =	vadd.f32 v3, v1;
	_ =	sdelay $0x1  }
0x65: {  	[tilespmem:v0+s15+$0x0 ss:$0x1] =	vst.idx.msk $0xffff, v1  }
0x66: {  	v1 =	vld.idx.msk [tilespmem:v0+s15+$0x10 ss:$0x1], $0xffff  }
0x67: {  	s9 =	sadd.s32 $0x1, s9  }
0x68: {  	p0 =	sne.s32 s9, $0xA  }
.Ltmp1:
0x69: {  	_ = 	snop;
	(pc) =	sbr.rel @p0 .LBB2_3-.Ltmp1, $3  }
0x6a: {  	_ = 	snop  }
0x6b: {  	v1 =	vadd.f32 v1, v2;
	_ =	sdelay $0x1  }
0x6c: {  	s10 =	sadd.s32 $0x1000, s10;
	[tilespmem:v0+s15+$0x10 ss:$0x1] =	vst.idx.msk $0xffff, v1  }
0x6d: {  	s1 =	smul.u32 $0x140000, s6;
	_ =	sdelay $0x1  }
0x6e: {  	s6 =	sadd.s32 $0x1, s6;
	s1 =	sor.u32 s8, s1  }
0x6f: {  	s9 =	rddreg [dreg:$0x1];
	p0 =	sne.s32 s6, $0x14;
	s1 =	sshrl.u32 s1, $0x3  }
.Ltmp2:
0x70: {  	s1 =	sadd.s32 s9, s1;
	(pc) =	sbr.rel @p0 .LBB2_2-.Ltmp2, $4  }
0x71: {  	[hbm4b:s1+s13] =	stream.strided.scatter [tilespmem:s2], [sflag:$0x2], $0xA000, s3, s13, $0x38;
	[tilespmem:$0xBE00] =	vst v63  }
0x72: {  	_ =	swait.ge [sflag:s11], $0xA000  }
0x73: {  	[sflag:s11] =	ssyncset.done $0x0  }
0x74: {  	[sflag:s11] =	ssyncadd.s32 $0xFFFF6000  }
0x75: {  	s6 =	rddreg [dreg:$0x5]  }
0x76: {  	s1 =	rddreg [dreg:$0x4];
	s6 =	sadd.s32 $0x1, s6  }
0x77: {  	p0 =	sne.s32 s6, s1  }
.Ltmp3:
0x78: {  	_ = 	snop;
	(pc) =	sbr.rel @p0 .LBB2_1-.Ltmp3, $1  }
0x79: {  	_ =	sdelay $0x3  }
0x7a: {  	_ =	sfence.sel $0x180000  }
0x7b: {  	[bflag:$0x0] =	sbarrier.arrive $0xFFFF  }
0x7c: {  	_ =	strace $0x90000047  }
0x7d: {  	s0 =	stileid.u32;
	[bflag:$0x2] =	sbarrier.arrive $0xFFFF  }
0x7e: {  	p0 =	sne.s32 s0, $0x0;
	s0 =	rddreg [dreg:$0x2]  }
0x7f: {  	s0 =	sadd.s32 @!p0 $0x100000, s0  }
0x80: {  	[sflag:s0] =	ssyncadd.tile.s32 @!p0 $0x1;
	_ =	shalt  }
.Lfunc_end2:
_tile_overlayer_lowered:
.L_overlay_start_2:
0x81: {  	(tag) =	ssettag $0x2  }
0x82: {  	s0 =	rddreg [dreg:$0x0];
	s2 =	stileid.u32  }
0x83: {  	s1 =	rddreg [dreg:$0x1];
	p0 =	sne.s32 s2, $0x0  }
0x84: {  	s3 =	rddreg [dreg:$0x2];
	[bflag:$0x3] =	sbarrier.arrive $0xFFFF;
	s2 =	simm.s32 @!p0 $0x1C02  }
0x85: {  	[timem:s3], [sflag:s2] =	dma.local @!p0 [hbm:s0], s1  }
0x86: {  	s0 =	simm.s32 @!p0 $0x2  }
0x87: {  	_ =	swait.ge @!p0 [sflag:s0], s1  }
0x88: {  	s1 =	ssub.s32 @!p0 $0x0, s1;
	[sflag:s0] =	ssyncset.done @!p0 $0x0  }
0x89: {  	[sflag:s0] =	ssyncadd.s32 @!p0 s1  }
0x8a: {  	[bflag:$0x3] =	sbarrier.arrive $0xFFFF  }
0x8b: {  	_ =	shalt  }

// kernel: sparse-core-data-format-call.cloned.1.call-start
scs
called_computation_lowered:
.L_overlay_start_0:
0x0: {  	s2 =	sld [smem:$0x3FD9]  }
0x1: {  	s3 =	sld [smem:$0x3FFE];
	_ =	sdelay $0x1  }
0x2: {  	s1 =	srdreg.scid  }
0x3: {  	s0 =	sand.u32 $0x1, s1  }
0x4: {  	s18 =	sshll.u32 s0, $0xA;
	s2 =	sadd.s32 s3, s2  }
0x5: {  	s2 =	sadd.s32 s2, s18  }
0x6: {  	[smem:$0x3FC5] =	sst s2  }
0x7: {  	_ = 	snop  }
0x8: {  	s2 =	sld [smem:$0x3FD0];
	(tm) =	ssettm $0x1  }
0x9: {  	s19 =	sld [smem:$0x3FFB];
	_ =	sdelay $0x3  }
0xa: {  	_ =	strace s19  }
0xb: {  	s3 =	sld [smem:$0x3FFC];
	_ =	sdelay $0x3  }
0xc: {  	_ =	strace s3  }
0xd: {  	s3 =	sld [smem:$0x3FFD];
	_ =	sdelay $0x3  }
0xe: {  	_ =	strace s3  }
0xf: {  	_ =	strace $0x8FFFFFFF  }
0x10: {  	s20 =	sld [smem:$0x3FDB];
	_ =	sdelay $0x1  }
0x11: {  	s4 =	simm.s32 $_scs_section_size  }
0x12: {  	s5 =	simm.s32 $_size__tile_overlayer_lowered;
	s6 =	simm.s32 $_tile_overlayer_lowered  }
0x13: {  	s23 =	simm.s32 $0x1BFF;
	s22 =	sshll.u32 s6, $0x1;
	s3 =	sadd.s32 s4, s20  }
0x14: {  	s7 =	simm.s32 $0x0;
	s21 =	sshll.u32 s5, $0x1;
	s5 =	sadd.s32 s22, s3  }
0x15: {  	[timem:s7], [sflag:s23] =	dma.local [hbm:s5], s21  }
0x16: {  	_ =	swait.ge [sflag:s23], s21  }
0x17: {  	s4 =	ssub.s32 $0x0, s21;
	[sflag:s23] =	ssyncset.done $0x0  }
0x18: {  	[sflag:s23] =	ssyncadd.s32 s4;
	_ =	sdelay $0x1  }
0x19: {  	s24 =	simm.s32 $0x1B8B  }
0x1a: {  	_ =	swait.ge [sflag:s24], $0x1  }
0x1b: {  	[sflag:s24] =	ssyncset.done $0x0  }
0x1c: {  	s26 =	simm.s32 $0x1B8E;
	s25 =	sld [smem:$0x3FFE];
	[sflag:s24] =	ssyncadd.s32 $0xFFFFFFFF  }
0x1d: {  	s27 =	simm.s32 $execute0_lowered;
	[smem:$0x3FD2] =	sst s26  }
0x1e: {  	s5 =	sshll.u32 s27, $0x1;
	_ =	strace $0x80000049;
	[dreg:$0x1] =	wrdreg $0xFFFFFFFF  }
0x1f: {  	s28 =	simm.s32 $_size_execute0_lowered;
	s3 =	sadd.s32 s3, s5;
	[dreg:$0x0] =	wrdreg $0x0  }
0x20: {  	s5 =	sshll.u32 s28, $0x1;
	[dreg:$0x2] =	wrdreg s3  }
0x21: {  	[dreg:$0x3] =	wrdreg s5  }
0x22: {  	[dreg:$0x4] =	wrdreg $0xC0  }
0x23: {  	_ =	task [dreg:s7], $0x5FFFF  }
0x24: {  	[dreg:$0x1] =	wrdreg $0xFFFFFFFF  }
0x25: {  	[dreg:$0x0] =	wrdreg $0x60  }
0x26: {  	[dreg:$0x2] =	wrdreg s25  }
0x27: {  	[dreg:$0x3] =	wrdreg s2  }
0x28: {  	[dreg:$0x4] =	wrdreg $0x9  }
0x29: {  	_ =	task.clear_ibuf [dreg:s7], $0x5FFFF;
	_ =	strace $0x90000049  }
0x2a: {  	s29 =	simm.s32 $0x9;
	_ =	strace $0x8000004B  }
0x2b: {  	_ =	swait.ge [sflag:s29], $0x1  }
0x2c: {  	[sflag:s29] =	ssyncadd.s32 $0xFFFFFFFF  }
0x2d: {  	_ =	strace $0x9000004B  }
0x2e: {  	_ =	sfence  }
0x2f: {  	s30 =	sld [smem:$0x0];
	_ =	sdelay $0x2  }
0x30: {  	s31 =	sshll.u32 s1, $0xD;
	s1 =	sshrl.u32 s1, $0x2  }
0x31: {  	s3 =	sand.u32 $0x4000, s31;
	s1 =	sadd.s32 s1, s30  }
0x32: {  	s0 =	sor.u32 s3, s0;
	s1 =	sshll.u32 s1, $0x11  }
0x33: {  	s0 =	sor.u32 s1, s0  }
0x34: {  	s0 =	sadd.s32 $0x8F2B, s0  }
0x35: {  	[sflag:s0] =	ssyncadd.remote.s32 $0x1  }
0x36: {  	_ =	sfence.sel $0xFFFF  }
0x37: {  	[dreg:$0x0] =	wrdreg $0xFFFFFFFF;
	(pc) =	sbr.abs _section_cstart, $3  }
0x38: {  	[dreg:$0x1] =	wrdreg $0xFFFFFFFF  }
0x39: {  	_ =	task.clear_ibuf [dreg:s7], $0x2FFFF;
	_ =	strace $0x9FFFFFFF  }
0x3a: {  	(tm) =	ssettm $0x7FFFFFFF  }
0x3b: {  	_ =	shalt  }
tec
execute0_lowered:
.L_overlay_start_1:
0x0: {  	(tag) =	ssettag $0x1  }
0x1: {  	s0 =	srdreg.scid;
	s5 =	rddreg [dreg:$0x0]  }
0x2: {  	s2 =	rddreg [dreg:$0x1];
	s1 =	sshll.u32 s0, $0x4  }
0x3: {  	s9 =	simm.s32 $0x2;
	s0 =	stileid.u32;
	s1 =	sand.u32 $0x10, s1  }
0x4: {  	s15 =	simm.s32 $0x0;
	s11 =	simm.s32 $0x400;
	s4 =	sor.u32 s0, s1  }
0x5: {  	s12 =	simm.s32 $0x8000;
	s16 =	simm.s32 $0x0;
	s3 =	sshll.u32 s4, $0x7  }
0x6: {  	s13 =	simm.s32 $0x0;
	s1 =	rddreg [dreg:$0x2];
	s6 =	ssub.s32 $0x1000, s3  }
0x7: {  	_ =	strace $0x8000004A;
	s8 =	sshll.u32 s4, $0xB;
	s7 =	sand.u32 $0xF80, s6  }
0x8: {  	s4 =	simm.s32 $0x1;
	p0 =	sne.s32 s7, $0x0;
	s7 =	simm.s32 $0x1  }
.Ltmp0:
0x9: {  	s6 =	sshrl.u32 s6, $0xC;
	s7 =	simm.s32 @!p0 $0x0;
	(pc) =	sbr.rel .LBB1_1-.Ltmp0, $4  }
0xa: {  	s14 =	simm.s32 $0x0;
	[sflag:s4] =	ssyncpa.u1 $0x0;
	s6 =	sadd.s32 s7, s6  }
0xb: {  	s10 =	sadd.s32 s8, s5;
	[sflag:s9] =	ssyncpa.u1 $0x0;
	s5 =	smul.u32 $0x32, s6  }
0xc: {  	s8 =	sadd.s32 $0x20C00, s10;
	s9 =	sadd.s32 $0x30C00, s10;
	p0 =	por $0x0, $0x0  }
0xd: {  	s7 =	sadd.s32 $0x10C00, s10;
	s6 =	sadd.s32 $0xC00, s10;
	s10 =	sor.u32 $0x1, s5  }
.LBB1_7:
0xe: {  	s17 =	sadd.s32 $0x4, s13  }
0xf: {  	p2 =	sgt.s32 s17, $0xC7  }
0x10: {  	s17 =	simm.s32 @p2 $0x0;
	p2 =	sne.s32 s14, s10  }
.Ltmp1:
0x11: {  	p1 =	slt.u32 s14, $0x2;
	(pc) =	sbr.rel @!p2 .LBB1_8-.Ltmp1, $4  }
0x12: {  	s15 =	simm.s32 @!p1 $0x2  }
0x13: {  	s18 =	sadd.s32 $0x1, s14;
	s16 =	smov.u32 s13;
	_ =	swait.ge @!p1 [sflag:s15], $0x4000  }
0x14: {  	p0 =	por !p0, !p0;
	s14 =	smov.u32 s18;
	[sflag:s15] =	ssyncset.done @!p1 $0x0  }
0x15: {  	s13 =	smov.u32 s17;
	[sflag:s15] =	ssyncadd.s32 @!p1 $0xFFFFC000;
	s15 =	smov.u32 s3  }
.LBB1_1:
0x16: {  	p1 =	sge.u32 s14, s5  }
0x17: {  	s17 =	sxor.u32 @!p1 $0xFFFFFFFF, s14  }
0x18: {  	s18 =	sshll.u32 @!p1 s13, $0x10;
	s20 =	simm.s32 @!p1 $0x20;
	s17 =	sshll.u32 @!p1 s17, $0xE  }
0x19: {  	s21 =	simm.s32 @!p1 $0x80;
	s19 =	sadd.s32 @!p1 s18, s6;
	s17 =	sand.u32 @!p1 $0x4000, s17  }
0x1a: {  	[tilespmem:s17], [sflag:$0x1] =	stream.strided.gather @!p1 [hbm4b:s19+s20], $0x1000, s21, s20, $0x38;
	[tilespmem:$0x10100] =	vst v63  }
0x1b: {  	s19 =	sadd.s32 @!p1 s18, s7;
	s22 =	sor.u32 @!p1 $0x1000, s17  }
0x1c: {  	[tilespmem:s22], [sflag:$0x1] =	stream.strided.gather @!p1 [hbm4b:s19+s20], $0x1000, s21, s20, $0x38;
	[tilespmem:$0x10100] =	vst v63  }
0x1d: {  	s19 =	sadd.s32 @!p1 s18, s8;
	s22 =	sor.u32 @!p1 $0x2000, s17  }
0x1e: {  	[tilespmem:s22], [sflag:$0x1] =	stream.strided.gather @!p1 [hbm4b:s19+s20], $0x1000, s21, s20, $0x38;
	[tilespmem:$0x10100] =	vst v63  }
0x1f: {  	s31 =	sadd.s32 $0xFFFFFFFF, s14;
	s18 =	sadd.s32 @!p1 s18, s9;
	s17 =	sor.u32 @!p1 $0x3000, s17  }
0x20: {  	[tilespmem:s17], [sflag:$0x1] =	stream.strided.gather @!p1 [hbm4b:s18+s20], $0x1000, s21, s20, $0x38;
	[tilespmem:$0x10100] =	vst v63  }
0x21: {  	p1 =	sge.u32 s31, s5  }
.Ltmp2:
0x22: {  	_ = 	snop;
	(pc) =	sbr.rel @p1 .LBB1_7-.Ltmp2, $1  }
0x23: {  	_ =	sdelay $0x3  }
0x24: {  	s18 =	simm.s32 $0x1;
	s19 =	sand.u32 $0x1, s14  }
0x25: {  	_ =	swait.ge [sflag:s4], $0x4000;
	s18 =	simm.s32 @!p0 $0x0;
	s20 =	smul.u32 $0x10200, s19  }
0x26: {  	[sflag:s4] =	ssyncset.done $0x0;
	s17 =	smul.u32 $0x10200, s18  }
0x27: {  	s18 =	sshll.u32 s18, $0xE;
	[sflag:s4] =	ssyncadd.s32 $0xFFFFC000  }
0x28: {  	s19 =	sor.u32 $0x10, s18;
	s31 =	sshrl.u32 s20, $0x2;
	s17 =	sshrl.u32 s17, $0x2  }
0x29: {  	s20 =	simm.s32 $0x0;
	s18 =	sor.u32 $0x8000, s31;
	s17 =	sor.u32 $0x8000, s17  }
.LBB1_3:
0x2a: {  	v1 =	vld [tilespmem:s19+$0x0]  }
0x2b: {  	v0 =	vld [tilespmem:s19+$0xFFFFFFF0];
	_ =	sdelay $0x2  }
0x2c: {  	s23 =	sadd.s32 $0x0, s17  }
0x2d: {  	s21 =	simm.s32 $0x4;
	s22 =	sadd.s32 $0x20, s19;
	[tilespmem:s23+$0x810 ss:$0x81] =	vst.msk $0xffff, v1  }
.LBB1_4:
0x2e: {  	v1 =	vld [tilespmem:s22+$0x0];
	p1 =	sne.s32 s21, $0x1FC;
	[tilespmem:s23+$0x0 ss:$0x81] =	vst.msk $0xffff, v0;
	s23 =	smov.u32 s21;
	s21 =	sadd.s32 $0x4, s21  }
.Ltmp3:
0x2f: {  	v0 =	vld [tilespmem:s22+$0xFFFFFFF0];
	(pc) =	sbr.rel @p1 .LBB1_4-.Ltmp3, $4  }
0x30: {  	_ = 	snop  }
0x31: {  	s23 =	sshra.s32 s23, $0x2  }
0x32: {  	s23 =	sadd.s32 s23, s17  }
0x33: {  	s22 =	sadd.s32 $0x20, s22;
	[tilespmem:s23+$0x810 ss:$0x81] =	vst.msk $0xffff, v1  }
0x34: {  	s20 =	sadd.s32 $0x1, s20  }
0x35: {  	p1 =	sne.s32 s20, $0x4  }
.Ltmp4:
0x36: {  	_ = 	snop;
	(pc) =	sbr.rel @p1 .LBB1_3-.Ltmp4, $2  }
0x37: {  	_ =	sdelay $0x2  }
0x38: {  	[tilespmem:s23+$0x0 ss:$0x81] =	vst.msk $0xffff, v0;
	s17 =	sadd.s32 $0x1020, s17;
	s19 =	sadd.s32 $0x1000, s19  }
.Ltmp5:
0x39: {  	(pc) =	sbr.rel .LBB1_7-.Ltmp5, $4  }
0x3a: {  	s16 =	sshll.u32 s16, $0xE  }
0x3b: {  	s16 =	sadd.s32 s2, s16  }
0x3c: {  	s15 =	sadd.s32 s15, s16  }
0x3d: {  	[hbm4b:s15+s11] =	stream.strided.scatter [tilespmem:s18], [sflag:$0x2], $0x4000, s12, s11, $0x20;
	[tilespmem:$0x10100] =	vst v63  }
.LBB1_8:
0x3e: {  	_ =	sfence.sel $0x180000  }
0x3f: {  	s2 =	simm.s32 $0x1;
	[bflag:$0x0] =	sbarrier.arrive $0xFFFF  }
0x40: {  	s31 =	simm.s32 $0x2;
	[sflag:s2] =	ssyncpa.u1 $0x1  }
0x41: {  	[sflag:s31] =	ssyncpa.u1 $0x1  }
0x42: {  	p0 =	sne.s32 s0, $0x0;
	_ =	strace $0x9000004A  }
0x43: {  	s0 =	sadd.s32 @!p0 $0x100000, s1;
	[bflag:$0x2] =	sbarrier.arrive $0xFFFF  }
0x44: {  	[sflag:s0] =	ssyncadd.tile.s32 @!p0 $0x1;
	_ =	shalt  }
.Lfunc_end1:
_tile_overlayer_lowered:
.L_overlay_start_2:
0x45: {  	(tag) =	ssettag $0x2  }
0x46: {  	s0 =	rddreg [dreg:$0x0];
	s2 =	stileid.u32  }
0x47: {  	s1 =	rddreg [dreg:$0x1];
	p0 =	sne.s32 s2, $0x0  }
0x48: {  	s3 =	rddreg [dreg:$0x2];
	[bflag:$0x3] =	sbarrier.arrive $0xFFFF;
	s2 =	simm.s32 @!p0 $0x1C01  }
0x49: {  	[timem:s3], [sflag:s2] =	dma.local @!p0 [hbm:s0], s1  }
0x4a: {  	s0 =	simm.s32 @!p0 $0x1  }
0x4b: {  	_ =	swait.ge @!p0 [sflag:s0], s1  }
0x4c: {  	s1 =	ssub.s32 @!p0 $0x0, s1;
	[sflag:s0] =	ssyncset.done @!p0 $0x0  }
0x4d: {  	[sflag:s0] =	ssyncadd.s32 @!p0 s1  }
0x4e: {  	[bflag:$0x3] =	sbarrier.arrive $0xFFFF  }
0x4f: {  	_ =	shalt  }

</sc_bundles>
